<compile_context>
chip_gen: v7x
topology: tpu7x:2x2x1
jax: 0.10.2.dev20260603
libtpu: 0.0.44.dev20260713+nightly
codegen_flags: <defaults>
</compile_context>

<pallas_src>
import functools

import jax
import jax.numpy as jnp
from jax import lax
from jax.experimental import pallas as pl
from jax.experimental.pallas import tpu as pltpu
from jax.experimental.pallas import tpu_sc as plsc

N = 10000
E = 320000
NC = 2
NS = 16
L = 16
NW = NC * NS
EPS = E // NS
N_PAD = 10240
NRED = N_PAD // NS

HFETCH = 20096
FQ = (5120, 5120, 5120, 4736)
SCB = (0, 314, 634, 954, 1250)
SCALL = EPS // L
GLEN = 10112
GCH = GLEN // L

ZU = 8
SU = 8
GU = 8

_mesh = plsc.VectorSubcoreMesh(core_axis_name="c", subcore_axis_name="s")
_cparams = pltpu.CompilerParams(needs_layout_passes=False)


@functools.partial(
    pl.kernel,
    mesh=_mesh,
    compiler_params=_cparams,
    out_type=jax.ShapeDtypeStruct((1, E), jnp.float32),
    scratch_types=[
        pltpu.VMEM((2, HFETCH), jnp.int32),
        pltpu.VMEM((2, GLEN), jnp.int32),
        pltpu.VMEM((N_PAD,), jnp.float32),
        pltpu.VMEM_SHARED((NS, N_PAD), jnp.float32),
        pltpu.VMEM_SHARED((N_PAD,), jnp.float32),
        pltpu.VMEM((NS, NRED), jnp.float32),
        pltpu.VMEM((NRED,), jnp.float32),
        pltpu.VMEM((N_PAD,), jnp.float32),
        pltpu.VMEM((GLEN,), jnp.float32),
        pltpu.SemaphoreType.DMA,
        pltpu.SemaphoreType.DMA,
        pltpu.SemaphoreType.DMA,
        pltpu.SemaphoreType.DMA,
        pltpu.SemaphoreType.DMA,
    ],
)
def _alpha_k(edge_hbm, out_hbm, idx_v, gidx_v, hist_v, part_sh, recip_sh,
             red_v, outred_v, recip_v, out_v, sem0, sem1, sem2, sem3, gsem):
    c = lax.axis_index("c")
    s = lax.axis_index("s")
    w = s * NC + c

    col = s * EPS
    c0 = (col // 128) * 128
    off = col - c0
    sems = (sem0, sem1, sem2, sem3)
    starts = (0, FQ[0], FQ[0] + FQ[1], FQ[0] + FQ[1] + FQ[2])

    def fetch(j):
        return pltpu.async_copy(
            edge_hbm.at[:, pl.ds(c0 + starts[j], FQ[j])],
            idx_v.at[:, pl.ds(starts[j], FQ[j])], sems[j])

    cps = [fetch(0), fetch(1)]
    ga = ((625 * w) // 8) * 128

    @pl.when(c == 1)
    def _():
        pltpu.async_copy(edge_hbm.at[:, pl.ds(ga, GLEN)], gidx_v, gsem)

    def zero_body(i, carry):
        base = i * (L * ZU)
        for u in range(ZU):
            hist_v[pl.ds(base + u * L, L)] = jnp.zeros((L,), jnp.float32)
        return carry

    lax.fori_loop(0, N_PAD // (L * ZU), zero_body, 0)

    ones = jnp.ones((L,), jnp.float32)

    def scat_body(i):
        idx = idx_v[1, pl.ds(off + i * L, L)]
        plsc.addupdate_scatter(hist_v, [idx], ones)

    for j in range(4):
        cps[j].wait()
        if j + 2 < 4:
            cps.append(fetch(j + 2))
        plsc.parallel_loop(SCB[j], SCB[j + 1], unroll=SU)(scat_body)

    pltpu.sync_copy(hist_v, part_sh.at[s])
    plsc.subcore_barrier()
    pltpu.sync_copy(part_sh.at[:, pl.ds(s * NRED, NRED)], red_v)

    one = jnp.ones((L,), jnp.float32)

    def red_body(i, carry):
        acc = red_v[0, pl.ds(i * L, L)]
        for r in range(1, NS):
            acc = acc + red_v[r, pl.ds(i * L, L)]
        outred_v[pl.ds(i * L, L)] = one / acc
        return carry

    lax.fori_loop(0, NRED // L, red_body, 0)
    pltpu.sync_copy(outred_v, recip_sh.at[pl.ds(s * NRED, NRED)])
    plsc.subcore_barrier()

    pltpu.sync_copy(recip_sh, recip_v)

    @pl.when(c == 0)
    def _():
        def g_body0(i):
            idx = idx_v[1, pl.ds(i * L, L)]
            out_v[pl.ds(i * L, L)] = plsc.load_gather(recip_v, [idx])

        plsc.parallel_loop(0, GCH, unroll=GU)(g_body0)

    @pl.when(c == 1)
    def _():
        pltpu.make_async_copy(
            edge_hbm.at[:, pl.ds(ga, GLEN)], gidx_v, gsem).wait()

        def g_body1(i):
            idx = gidx_v[1, pl.ds(i * L, L)]
            out_v[pl.ds(i * L, L)] = plsc.load_gather(recip_v, [idx])

        plsc.parallel_loop(0, GCH, unroll=GU)(g_body1)

    pltpu.sync_copy(out_v, out_hbm.at[0, pl.ds(ga, GLEN)])


@jax.jit
def kernel(x, edge_index, W_l, b_l, W_r, b_r, attn_w):
    return _alpha_k(edge_index.astype(jnp.int32)).reshape(E, 1)

# --- scband reference (transcript-rebuilt; emitter-appended) ---
"""Pipeline reference for scband-type-attention-27470610825502 (READ-ONLY COPY).

The authoritative reference and input builder live on the scoring server;
editing this copy changes nothing except your own understanding.
"""

import jax, jax.numpy as jnp
import numpy as np

N = 10000
E = 320000
D = 128


def setup_inputs(seed: int = 0) -> dict:
    key = jax.random.key(seed)
    ks = jax.random.split(key, 8)
    x = jax.random.normal(ks[0], (N, D), dtype=jnp.float32)
    edge_index = jax.random.randint(ks[1], (2, E), 0, N).astype(jnp.int64)
    s = 1.0 / np.sqrt(D)
    W_l = jax.random.uniform(ks[2], (D, D), dtype=jnp.float32, minval=-s, maxval=s)
    b_l = jax.random.uniform(ks[3], (D,), dtype=jnp.float32, minval=-s, maxval=s)
    W_r = jax.random.uniform(ks[4], (D, D), dtype=jnp.float32, minval=-s, maxval=s)
    b_r = jax.random.uniform(ks[5], (D,), dtype=jnp.float32, minval=-s, maxval=s)
    attn_w = jax.random.uniform(ks[6], (D, 1), dtype=jnp.float32, minval=-s, maxval=s)
    return {"x": x, "edge_index": edge_index, "W_l": W_l, "b_l": b_l, "W_r": W_r, "b_r": b_r, "attn_w": attn_w}


def reference(x, edge_index, W_l, b_l, W_r, b_r, attn_w):
    src = edge_index[0]
    dst = edge_index[1]
    ones = jnp.ones((E,), dtype=jnp.float32)
    # out-degree normalization of source features
    out_deg = jnp.clip(jax.ops.segment_sum(ones, src, num_segments=N), 1.0, None)
    norm_out = out_deg ** -0.5
    h_src = x * norm_out[:, None]
    # copy_u + sum aggregation: scatter-add messages to dst
    msg = jnp.take(h_src, src, axis=0)
    rst = jax.ops.segment_sum(msg, dst, num_segments=N)
    # in-degree normalization
    in_deg = jnp.clip(jax.ops.segment_sum(ones, dst, num_segments=N), 1.0, None)
    rst = rst * (in_deg ** -0.5)[:, None]
    # HeteroLinear projections (single ntype)
    z_l = x @ W_l + b_l
    z_r = rst @ W_r + b_r
    m_dst = jax.nn.elu(z_l + z_r)
    logit = m_dst @ attn_w  # (N, 1)
    logit = jnp.where(logit >= 0, logit, 0.2 * logit)  # LeakyReLU(0.2)
    # apply_edges: gather dst logit per edge
    elogit = jnp.take(logit, dst, axis=0)  # (E, 1)
    # edge_softmax over edges grouped by dst node
    emax = jax.ops.segment_max(elogit, dst, num_segments=N)
    ex = jnp.exp(elogit - jnp.take(emax, dst, axis=0))
    esum = jax.ops.segment_sum(ex, dst, num_segments=N)
    alpha = ex / jnp.take(esum, dst, axis=0)
    return alpha

if __name__ == "__main__":
    import jax
    _d = setup_inputs()
    print(jax.jit(kernel)(*tuple(_d.values())))

</pallas_src>

<mosaic_0001>
#map = affine_map<(d0, d1) -> (0, 0)>
module attributes {stable_mosaic.version = 14 : i64} {
  func.func @_alpha_k(%arg0: i32, %arg1: i32, %arg2: memref<2x320000xi32, #tpu.memory_space<hbm>>, %arg3: memref<1x320000xf32, #tpu.memory_space<hbm>>, %arg4: memref<2x20096xi32, #tpu.memory_space<vmem>>, %arg5: memref<2x10112xi32, #tpu.memory_space<vmem>>, %arg6: memref<10240xf32, #tpu.memory_space<vmem>>, %arg7: memref<16x10240xf32, #tpu.memory_space<vmem_shared>>, %arg8: memref<10240xf32, #tpu.memory_space<vmem_shared>>, %arg9: memref<16x640xf32, #tpu.memory_space<vmem>>, %arg10: memref<640xf32, #tpu.memory_space<vmem>>, %arg11: memref<10240xf32, #tpu.memory_space<vmem>>, %arg12: memref<10112xf32, #tpu.memory_space<vmem>>, %arg13: memref<!tpu.dma_semaphore, #tpu.memory_space<semaphore_mem>>, %arg14: memref<!tpu.dma_semaphore, #tpu.memory_space<semaphore_mem>>, %arg15: memref<!tpu.dma_semaphore, #tpu.memory_space<semaphore_mem>>, %arg16: memref<!tpu.dma_semaphore, #tpu.memory_space<semaphore_mem>>, %arg17: memref<!tpu.dma_semaphore, #tpu.memory_space<semaphore_mem>>) attributes {dimension_semantics = [#tpu.dimension_semantics<core_parallel>, #tpu.dimension_semantics<subcore_parallel>], iteration_bounds = array<i64: 2, 16>, scalar_prefetch = 0 : i64, scratch_operands = 14 : i64, tpu.core_type = #tpu.core_type<sc_vector_subcore>, window_params = [{transform_indices = #map}, {transform_indices = #map}]} {
    %mul3A = arith.constant 2 : i32
    %mul3A_0 = arith.muli %arg1, %mul3A : i32
    %add3A = arith.addi %mul3A_0, %arg0 : i32
    %mul3A_1 = arith.constant 20000 : i32
    %mul3A_2 = arith.muli %arg1, %mul3A_1 : i32
    %jit3A = arith.constant 128 : i32
    %div3A = arith.divsi %mul3A_2, %jit3A : i32
    %sign3A = arith.constant 0 : i32
    %sign3A_3 = arith.cmpi sgt, %mul3A_2, %sign3A : i32
    %sign3A_4 = arith.extui %sign3A_3 : i1 to i32
    %sign3A_5 = arith.constant 0 : i32
    %sign3A_6 = arith.cmpi slt, %mul3A_2, %sign3A_5 : i32
    %sign3A_7 = arith.extui %sign3A_6 : i1 to i32
    %sign3A_8 = arith.subi %sign3A_4, %sign3A_7 : i32
    %sign3A_9 = arith.constant 0 : i32
    %sign3A_10 = arith.cmpi sgt, %jit3A, %sign3A_9 : i32
    %sign3A_11 = arith.extui %sign3A_10 : i1 to i32
    %sign3A_12 = arith.constant 0 : i32
    %sign3A_13 = arith.cmpi slt, %jit3A, %sign3A_12 : i32
    %sign3A_14 = arith.extui %sign3A_13 : i1 to i32
    %sign3A_15 = arith.subi %sign3A_11, %sign3A_14 : i32
    %ne3A = arith.cmpi ne, %sign3A_8, %sign3A_15 : i32
    %rem3A = arith.remsi %mul3A_2, %jit3A : i32
    %ne3A_16 = arith.constant 0 : i32
    %ne3A_17 = arith.cmpi ne, %rem3A, %ne3A_16 : i32
    %and3A = arith.andi %ne3A, %ne3A_17 : i1
    %sub3A = arith.constant 1 : i32
    %sub3A_18 = arith.subi %div3A, %sub3A : i32
    %select_n3A = arith.select %and3A, %sub3A_18, %div3A : i32
    %mul3A_19 = arith.constant 128 : i32
    %mul3A_20 = arith.muli %select_n3A, %mul3A_19 : i32
    %sub3A_21 = arith.subi %mul3A_2, %mul3A_20 : i32
    %add3A_22 = arith.constant 0 : i32
    %add3A_23 = arith.addi %mul3A_20, %add3A_22 : i32
    %dma_start3A = arith.constant 0 : i32
    %dma_start3A_24 = arith.constant 0 : i32
    %dma_start3A_25 = tpu.memref_slice %arg4[%dma_start3A, %dma_start3A_24] : memref<2x20096xi32, #tpu.memory_space<vmem>> -> memref<2x5120xi32, #tpu.memory_space<vmem>>
    %dma_start3A_26 = arith.constant 0 : i32
    %dma_start3A_27 = tpu.memref_slice %arg2[%dma_start3A_26, %add3A_23] : memref<2x320000xi32, #tpu.memory_space<hbm>> -> memref<2x5120xi32, #tpu.memory_space<hbm>>
    %dma_start3A_28 = arith.constant 0 : i32
    %dma_start3A_29 = arith.constant 0 : i32
    %dma_start3A_30 = tpu.memref_slice %arg4[%dma_start3A_28, %dma_start3A_29] : memref<2x20096xi32, #tpu.memory_space<vmem>> -> memref<2x5120xi32, #tpu.memory_space<vmem>>
    %dma_start3A_31 = arith.constant 0 : i32
    %dma_start3A_32 = tpu.memref_slice %arg2[%dma_start3A_31, %add3A_23] : memref<2x320000xi32, #tpu.memory_space<hbm>> -> memref<2x5120xi32, #tpu.memory_space<hbm>>
    tpu.enqueue_dma source(%dma_start3A_32 : memref<2x5120xi32, #tpu.memory_space<hbm>>) target(%dma_start3A_30 : memref<2x5120xi32, #tpu.memory_space<vmem>>) target_semaphore(%arg13 : memref<!tpu.dma_semaphore, #tpu.memory_space<semaphore_mem>>)
    %add3A_33 = arith.constant 5120 : i32
    %add3A_34 = arith.addi %mul3A_20, %add3A_33 : i32
    %dma_start3A_35 = arith.constant 0 : i32
    %dma_start3A_36 = arith.constant 5120 : i32
    %dma_start3A_37 = tpu.memref_slice %arg4[%dma_start3A_35, %dma_start3A_36] : memref<2x20096xi32, #tpu.memory_space<vmem>> -> memref<2x5120xi32, #tpu.memory_space<vmem>>
    %dma_start3A_38 = arith.constant 0 : i32
    %dma_start3A_39 = tpu.memref_slice %arg2[%dma_start3A_38, %add3A_34] : memref<2x320000xi32, #tpu.memory_space<hbm>> -> memref<2x5120xi32, #tpu.memory_space<hbm>>
    %dma_start3A_40 = arith.constant 0 : i32
    %dma_start3A_41 = arith.constant 5120 : i32
    %dma_start3A_42 = tpu.memref_slice %arg4[%dma_start3A_40, %dma_start3A_41] : memref<2x20096xi32, #tpu.memory_space<vmem>> -> memref<2x5120xi32, #tpu.memory_space<vmem>>
    %dma_start3A_43 = arith.constant 0 : i32
    %dma_start3A_44 = tpu.memref_slice %arg2[%dma_start3A_43, %add3A_34] : memref<2x320000xi32, #tpu.memory_space<hbm>> -> memref<2x5120xi32, #tpu.memory_space<hbm>>
    tpu.enqueue_dma source(%dma_start3A_44 : memref<2x5120xi32, #tpu.memory_space<hbm>>) target(%dma_start3A_42 : memref<2x5120xi32, #tpu.memory_space<vmem>>) target_semaphore(%arg14 : memref<!tpu.dma_semaphore, #tpu.memory_space<semaphore_mem>>)
    %mul3A_45 = arith.constant 625 : i32
    %mul3A_46 = arith.muli %mul3A_45, %add3A : i32
    %jit3A_47 = arith.constant 8 : i32
    %div3A_48 = arith.divsi %mul3A_46, %jit3A_47 : i32
    %sign3A_49 = arith.constant 0 : i32
    %sign3A_50 = arith.cmpi sgt, %mul3A_46, %sign3A_49 : i32
    %sign3A_51 = arith.extui %sign3A_50 : i1 to i32
    %sign3A_52 = arith.constant 0 : i32
    %sign3A_53 = arith.cmpi slt, %mul3A_46, %sign3A_52 : i32
    %sign3A_54 = arith.extui %sign3A_53 : i1 to i32
    %sign3A_55 = arith.subi %sign3A_51, %sign3A_54 : i32
    %sign3A_56 = arith.constant 0 : i32
    %sign3A_57 = arith.cmpi sgt, %jit3A_47, %sign3A_56 : i32
    %sign3A_58 = arith.extui %sign3A_57 : i1 to i32
    %sign3A_59 = arith.constant 0 : i32
    %sign3A_60 = arith.cmpi slt, %jit3A_47, %sign3A_59 : i32
    %sign3A_61 = arith.extui %sign3A_60 : i1 to i32
    %sign3A_62 = arith.subi %sign3A_58, %sign3A_61 : i32
    %ne3A_63 = arith.cmpi ne, %sign3A_55, %sign3A_62 : i32
    %rem3A_64 = arith.remsi %mul3A_46, %jit3A_47 : i32
    %ne3A_65 = arith.constant 0 : i32
    %ne3A_66 = arith.cmpi ne, %rem3A_64, %ne3A_65 : i32
    %and3A_67 = arith.andi %ne3A_63, %ne3A_66 : i1
    %sub3A_68 = arith.constant 1 : i32
    %sub3A_69 = arith.subi %div3A_48, %sub3A_68 : i32
    %select_n3A_70 = arith.select %and3A_67, %sub3A_69, %div3A_48 : i32
    %mul3A_71 = arith.constant 128 : i32
    %mul3A_72 = arith.muli %select_n3A_70, %mul3A_71 : i32
    %eq3A = arith.constant 1 : i32
    %eq3A_73 = arith.cmpi eq, %arg0, %eq3A : i32
    %convert_element_type3A = arith.extui %eq3A_73 : i1 to i32
    %cond3A = arith.constant 0 : i32
    %cond3A_74 = arith.cmpi ne, %convert_element_type3A, %cond3A : i32
    scf.if %cond3A_74 {
      %dma_start3A_178 = arith.constant 0 : i32
      %dma_start3A_179 = tpu.memref_slice %arg2[%dma_start3A_178, %mul3A_72] : memref<2x320000xi32, #tpu.memory_space<hbm>> -> memref<2x10112xi32, #tpu.memory_space<hbm>>
      %dma_start3A_180 = arith.constant 0 : i32
      %dma_start3A_181 = tpu.memref_slice %arg2[%dma_start3A_180, %mul3A_72] : memref<2x320000xi32, #tpu.memory_space<hbm>> -> memref<2x10112xi32, #tpu.memory_space<hbm>>
      tpu.enqueue_dma source(%dma_start3A_181 : memref<2x10112xi32, #tpu.memory_space<hbm>>) target(%arg5 : memref<2x10112xi32, #tpu.memory_space<vmem>>) target_semaphore(%arg17 : memref<!tpu.dma_semaphore, #tpu.memory_space<semaphore_mem>>)
    } else {
    }
    %scan3A = arith.constant 0 : i32
    %scan3A_75 = arith.constant 0 : i32
    %scan3A_76 = arith.constant 80 : i32
    %scan3A_77 = arith.addi %scan3A_75, %scan3A_76 : i32
    %scan3A_78 = arith.constant 1 : i32
    scf.for %scan3A_178 = %scan3A_75 to %scan3A_77 step %scan3A_78  : i32 {
      %mul3A_179 = arith.constant 128 : i32
      %mul3A_180 = arith.muli %scan3A_178, %mul3A_179 : i32
      %broadcast_in_dim3A_181 = arith.constant 0.000000e+00 : f32
      %broadcast_in_dim3A_182 = vector.broadcast %broadcast_in_dim3A_181 : f32 to vector<16xf32>
      %add3A_183 = arith.constant 0 : i32
      %add3A_184 = arith.addi %mul3A_180, %add3A_183 : i32
      %swap3A = arith.index_cast %add3A_184 : i32 to index
      %swap3A_185 = tpu.vector_load %arg6[%swap3A] {strides = array<i32>} : memref<10240xf32, #tpu.memory_space<vmem>>, vector<16xf32>,
      tpu.vector_store %arg6[%swap3A], %broadcast_in_dim3A_182 {strides = array<i32>} : memref<10240xf32, #tpu.memory_space<vmem>>, vector<16xf32>,
      %broadcast_in_dim3A_186 = arith.constant 0.000000e+00 : f32
      %broadcast_in_dim3A_187 = vector.broadcast %broadcast_in_dim3A_186 : f32 to vector<16xf32>
      %add3A_188 = arith.constant 16 : i32
      %add3A_189 = arith.addi %mul3A_180, %add3A_188 : i32
      %swap3A_190 = arith.index_cast %add3A_189 : i32 to index
      %swap3A_191 = tpu.vector_load %arg6[%swap3A_190] {strides = array<i32>} : memref<10240xf32, #tpu.memory_space<vmem>>, vector<16xf32>,
      tpu.vector_store %arg6[%swap3A_190], %broadcast_in_dim3A_187 {strides = array<i32>} : memref<10240xf32, #tpu.memory_space<vmem>>, vector<16xf32>,
      %broadcast_in_dim3A_192 = arith.constant 0.000000e+00 : f32
      %broadcast_in_dim3A_193 = vector.broadcast %broadcast_in_dim3A_192 : f32 to vector<16xf32>
      %add3A_194 = arith.constant 32 : i32
      %add3A_195 = arith.addi %mul3A_180, %add3A_194 : i32
      %swap3A_196 = arith.index_cast %add3A_195 : i32 to index
      %swap3A_197 = tpu.vector_load %arg6[%swap3A_196] {strides = array<i32>} : memref<10240xf32, #tpu.memory_space<vmem>>, vector<16xf32>,
      tpu.vector_store %arg6[%swap3A_196], %broadcast_in_dim3A_193 {strides = array<i32>} : memref<10240xf32, #tpu.memory_space<vmem>>, vector<16xf32>,
      %broadcast_in_dim3A_198 = arith.constant 0.000000e+00 : f32
      %broadcast_in_dim3A_199 = vector.broadcast %broadcast_in_dim3A_198 : f32 to vector<16xf32>
      %add3A_200 = arith.constant 48 : i32
      %add3A_201 = arith.addi %mul3A_180, %add3A_200 : i32
      %swap3A_202 = arith.index_cast %add3A_201 : i32 to index
      %swap3A_203 = tpu.vector_load %arg6[%swap3A_202] {strides = array<i32>} : memref<10240xf32, #tpu.memory_space<vmem>>, vector<16xf32>,
      tpu.vector_store %arg6[%swap3A_202], %broadcast_in_dim3A_199 {strides = array<i32>} : memref<10240xf32, #tpu.memory_space<vmem>>, vector<16xf32>,
      %broadcast_in_dim3A_204 = arith.constant 0.000000e+00 : f32
      %broadcast_in_dim3A_205 = vector.broadcast %broadcast_in_dim3A_204 : f32 to vector<16xf32>
      %add3A_206 = arith.constant 64 : i32
      %add3A_207 = arith.addi %mul3A_180, %add3A_206 : i32
      %swap3A_208 = arith.index_cast %add3A_207 : i32 to index
      %swap3A_209 = tpu.vector_load %arg6[%swap3A_208] {strides = array<i32>} : memref<10240xf32, #tpu.memory_space<vmem>>, vector<16xf32>,
      tpu.vector_store %arg6[%swap3A_208], %broadcast_in_dim3A_205 {strides = array<i32>} : memref<10240xf32, #tpu.memory_space<vmem>>, vector<16xf32>,
      %broadcast_in_dim3A_210 = arith.constant 0.000000e+00 : f32
      %broadcast_in_dim3A_211 = vector.broadcast %broadcast_in_dim3A_210 : f32 to vector<16xf32>
      %add3A_212 = arith.constant 80 : i32
      %add3A_213 = arith.addi %mul3A_180, %add3A_212 : i32
      %swap3A_214 = arith.index_cast %add3A_213 : i32 to index
      %swap3A_215 = tpu.vector_load %arg6[%swap3A_214] {strides = array<i32>} : memref<10240xf32, #tpu.memory_space<vmem>>, vector<16xf32>,
      tpu.vector_store %arg6[%swap3A_214], %broadcast_in_dim3A_211 {strides = array<i32>} : memref<10240xf32, #tpu.memory_space<vmem>>, vector<16xf32>,
      %broadcast_in_dim3A_216 = arith.constant 0.000000e+00 : f32
      %broadcast_in_dim3A_217 = vector.broadcast %broadcast_in_dim3A_216 : f32 to vector<16xf32>
      %add3A_218 = arith.constant 96 : i32
      %add3A_219 = arith.addi %mul3A_180, %add3A_218 : i32
      %swap3A_220 = arith.index_cast %add3A_219 : i32 to index
      %swap3A_221 = tpu.vector_load %arg6[%swap3A_220] {strides = array<i32>} : memref<10240xf32, #tpu.memory_space<vmem>>, vector<16xf32>,
      tpu.vector_store %arg6[%swap3A_220], %broadcast_in_dim3A_217 {strides = array<i32>} : memref<10240xf32, #tpu.memory_space<vmem>>, vector<16xf32>,
      %broadcast_in_dim3A_222 = arith.constant 0.000000e+00 : f32
      %broadcast_in_dim3A_223 = vector.broadcast %broadcast_in_dim3A_222 : f32 to vector<16xf32>
      %add3A_224 = arith.constant 112 : i32
      %add3A_225 = arith.addi %mul3A_180, %add3A_224 : i32
      %swap3A_226 = arith.index_cast %add3A_225 : i32 to index
      %swap3A_227 = tpu.vector_load %arg6[%swap3A_226] {strides = array<i32>} : memref<10240xf32, #tpu.memory_space<vmem>>, vector<16xf32>,
      tpu.vector_store %arg6[%swap3A_226], %broadcast_in_dim3A_223 {strides = array<i32>} : memref<10240xf32, #tpu.memory_space<vmem>>, vector<16xf32>,
    }
    %scan3A_79 = arith.constant 80 : i32
    %broadcast_in_dim3A = arith.constant 1.000000e+00 : f32
    %broadcast_in_dim3A_80 = vector.broadcast %broadcast_in_dim3A : f32 to vector<16xf32>
    %dma_wait3A = arith.constant 0 : i32
    %dma_wait3A_81 = arith.constant 0 : i32
    %dma_wait3A_82 = tpu.memref_slice %arg4[%dma_wait3A, %dma_wait3A_81] : memref<2x20096xi32, #tpu.memory_space<vmem>> -> memref<2x5120xi32, #tpu.memory_space<vmem>>
    %dma_wait3A_83 = arith.constant 0 : i32
    %dma_wait3A_84 = tpu.memref_slice %arg2[%dma_wait3A_83, %add3A_23] : memref<2x320000xi32, #tpu.memory_space<hbm>> -> memref<2x5120xi32, #tpu.memory_space<hbm>>
    %dma_wait3A_85 = arith.constant 0 : i32
    %dma_wait3A_86 = arith.constant 0 : i32
    %dma_wait3A_87 = tpu.memref_slice %arg4[%dma_wait3A_85, %dma_wait3A_86] : memref<2x20096xi32, #tpu.memory_space<vmem>> -> memref<2x5120xi32, #tpu.memory_space<vmem>>
    %dma_wait3A_88 = arith.constant 0 : i32
    %dma_wait3A_89 = tpu.memref_slice %arg2[%dma_wait3A_88, %add3A_23] : memref<2x320000xi32, #tpu.memory_space<hbm>> -> memref<2x5120xi32, #tpu.memory_space<hbm>>
    tpu.wait_dma2 semaphore(%arg13 : memref<!tpu.dma_semaphore, #tpu.memory_space<semaphore_mem>>) src(%dma_wait3A_89 : memref<2x5120xi32, #tpu.memory_space<hbm>>) dst(%dma_wait3A_87 : memref<2x5120xi32, #tpu.memory_space<vmem>>)
    %add3A_90 = arith.constant 10240 : i32
    %add3A_91 = arith.addi %mul3A_20, %add3A_90 : i32
    %dma_start3A_92 = arith.constant 0 : i32
    %dma_start3A_93 = arith.constant 10240 : i32
    %dma_start3A_94 = tpu.memref_slice %arg4[%dma_start3A_92, %dma_start3A_93] : memref<2x20096xi32, #tpu.memory_space<vmem>> -> memref<2x5120xi32, #tpu.memory_space<vmem>>
    %dma_start3A_95 = arith.constant 0 : i32
    %dma_start3A_96 = tpu.memref_slice %arg2[%dma_start3A_95, %add3A_91] : memref<2x320000xi32, #tpu.memory_space<hbm>> -> memref<2x5120xi32, #tpu.memory_space<hbm>>
    %dma_start3A_97 = arith.constant 0 : i32
    %dma_start3A_98 = arith.constant 10240 : i32
    %dma_start3A_99 = tpu.memref_slice %arg4[%dma_start3A_97, %dma_start3A_98] : memref<2x20096xi32, #tpu.memory_space<vmem>> -> memref<2x5120xi32, #tpu.memory_space<vmem>>
    %dma_start3A_100 = arith.constant 0 : i32
    %dma_start3A_101 = tpu.memref_slice %arg2[%dma_start3A_100, %add3A_91] : memref<2x320000xi32, #tpu.memory_space<hbm>> -> memref<2x5120xi32, #tpu.memory_space<hbm>>
    tpu.enqueue_dma source(%dma_start3A_101 : memref<2x5120xi32, #tpu.memory_space<hbm>>) target(%dma_start3A_99 : memref<2x5120xi32, #tpu.memory_space<vmem>>) target_semaphore(%arg15 : memref<!tpu.dma_semaphore, #tpu.memory_space<semaphore_mem>>)
    %parallel_loop3A = arith.constant 0 : i32
    %parallel_loop3A_102 = arith.constant 314 : i32
    %parallel_loop3A_103 = arith.constant 1 : i32
    scf.for %parallel_loop3A_178 = %parallel_loop3A to %parallel_loop3A_102 step %parallel_loop3A_103  : i32 {
      %parallel_loop3A_179 = arith.constant 16 : i32
      %parallel_loop3A_180 = arith.muli %parallel_loop3A_178, %parallel_loop3A_179 : i32
      %parallel_loop3A_181 = arith.addi %sub3A_21, %parallel_loop3A_180 : i32
      %parallel_loop3A_182 = arith.constant 1 : i32
      %parallel_loop3A_183 = arith.index_cast %parallel_loop3A_182 : i32 to index
      %parallel_loop3A_184 = arith.index_cast %parallel_loop3A_181 : i32 to index
      %parallel_loop3A_185 = tpu.vector_load %arg4[%parallel_loop3A_183, %parallel_loop3A_184] {strides = array<i32>} : memref<2x20096xi32, #tpu.memory_space<vmem>>, vector<16xi32>,
      tpu.vector_store_idx %arg6[%parallel_loop3A_185], %broadcast_in_dim3A_80 {add = true} : memref<10240xf32, #tpu.memory_space<vmem>>[vector<16xi32>], vector<16xf32>,
    } {sc.loop_unroll_factor = 8 : i64, sc.parallel_access}
    %dma_wait3A_104 = arith.constant 0 : i32
    %dma_wait3A_105 = arith.constant 5120 : i32
    %dma_wait3A_106 = tpu.memref_slice %arg4[%dma_wait3A_104, %dma_wait3A_105] : memref<2x20096xi32, #tpu.memory_space<vmem>> -> memref<2x5120xi32, #tpu.memory_space<vmem>>
    %dma_wait3A_107 = arith.constant 0 : i32
    %dma_wait3A_108 = tpu.memref_slice %arg2[%dma_wait3A_107, %add3A_34] : memref<2x320000xi32, #tpu.memory_space<hbm>> -> memref<2x5120xi32, #tpu.memory_space<hbm>>
    %dma_wait3A_109 = arith.constant 0 : i32
    %dma_wait3A_110 = arith.constant 5120 : i32
    %dma_wait3A_111 = tpu.memref_slice %arg4[%dma_wait3A_109, %dma_wait3A_110] : memref<2x20096xi32, #tpu.memory_space<vmem>> -> memref<2x5120xi32, #tpu.memory_space<vmem>>
    %dma_wait3A_112 = arith.constant 0 : i32
    %dma_wait3A_113 = tpu.memref_slice %arg2[%dma_wait3A_112, %add3A_34] : memref<2x320000xi32, #tpu.memory_space<hbm>> -> memref<2x5120xi32, #tpu.memory_space<hbm>>
    tpu.wait_dma2 semaphore(%arg14 : memref<!tpu.dma_semaphore, #tpu.memory_space<semaphore_mem>>) src(%dma_wait3A_113 : memref<2x5120xi32, #tpu.memory_space<hbm>>) dst(%dma_wait3A_111 : memref<2x5120xi32, #tpu.memory_space<vmem>>)
    %add3A_114 = arith.constant 15360 : i32
    %add3A_115 = arith.addi %mul3A_20, %add3A_114 : i32
    %dma_start3A_116 = arith.constant 0 : i32
    %dma_start3A_117 = arith.constant 15360 : i32
    %dma_start3A_118 = tpu.memref_slice %arg4[%dma_start3A_116, %dma_start3A_117] : memref<2x20096xi32, #tpu.memory_space<vmem>> -> memref<2x4736xi32, #tpu.memory_space<vmem>>
    %dma_start3A_119 = arith.constant 0 : i32
    %dma_start3A_120 = tpu.memref_slice %arg2[%dma_start3A_119, %add3A_115] : memref<2x320000xi32, #tpu.memory_space<hbm>> -> memref<2x4736xi32, #tpu.memory_space<hbm>>
    %dma_start3A_121 = arith.constant 0 : i32
    %dma_start3A_122 = arith.constant 15360 : i32
    %dma_start3A_123 = tpu.memref_slice %arg4[%dma_start3A_121, %dma_start3A_122] : memref<2x20096xi32, #tpu.memory_space<vmem>> -> memref<2x4736xi32, #tpu.memory_space<vmem>>
    %dma_start3A_124 = arith.constant 0 : i32
    %dma_start3A_125 = tpu.memref_slice %arg2[%dma_start3A_124, %add3A_115] : memref<2x320000xi32, #tpu.memory_space<hbm>> -> memref<2x4736xi32, #tpu.memory_space<hbm>>
    tpu.enqueue_dma source(%dma_start3A_125 : memref<2x4736xi32, #tpu.memory_space<hbm>>) target(%dma_start3A_123 : memref<2x4736xi32, #tpu.memory_space<vmem>>) target_semaphore(%arg16 : memref<!tpu.dma_semaphore, #tpu.memory_space<semaphore_mem>>)
    %parallel_loop3A_126 = arith.constant 314 : i32
    %parallel_loop3A_127 = arith.constant 634 : i32
    %parallel_loop3A_128 = arith.constant 1 : i32
    scf.for %parallel_loop3A_178 = %parallel_loop3A_126 to %parallel_loop3A_127 step %parallel_loop3A_128  : i32 {
      %parallel_loop3A_179 = arith.constant 16 : i32
      %parallel_loop3A_180 = arith.muli %parallel_loop3A_178, %parallel_loop3A_179 : i32
      %parallel_loop3A_181 = arith.addi %sub3A_21, %parallel_loop3A_180 : i32
      %parallel_loop3A_182 = arith.constant 1 : i32
      %parallel_loop3A_183 = arith.index_cast %parallel_loop3A_182 : i32 to index
      %parallel_loop3A_184 = arith.index_cast %parallel_loop3A_181 : i32 to index
      %parallel_loop3A_185 = tpu.vector_load %arg4[%parallel_loop3A_183, %parallel_loop3A_184] {strides = array<i32>} : memref<2x20096xi32, #tpu.memory_space<vmem>>, vector<16xi32>,
      tpu.vector_store_idx %arg6[%parallel_loop3A_185], %broadcast_in_dim3A_80 {add = true} : memref<10240xf32, #tpu.memory_space<vmem>>[vector<16xi32>], vector<16xf32>,
    } {sc.loop_unroll_factor = 8 : i64, sc.parallel_access}
    %dma_wait3A_129 = arith.constant 0 : i32
    %dma_wait3A_130 = arith.constant 10240 : i32
    %dma_wait3A_131 = tpu.memref_slice %arg4[%dma_wait3A_129, %dma_wait3A_130] : memref<2x20096xi32, #tpu.memory_space<vmem>> -> memref<2x5120xi32, #tpu.memory_space<vmem>>
    %dma_wait3A_132 = arith.constant 0 : i32
    %dma_wait3A_133 = tpu.memref_slice %arg2[%dma_wait3A_132, %add3A_91] : memref<2x320000xi32, #tpu.memory_space<hbm>> -> memref<2x5120xi32, #tpu.memory_space<hbm>>
    %dma_wait3A_134 = arith.constant 0 : i32
    %dma_wait3A_135 = arith.constant 10240 : i32
    %dma_wait3A_136 = tpu.memref_slice %arg4[%dma_wait3A_134, %dma_wait3A_135] : memref<2x20096xi32, #tpu.memory_space<vmem>> -> memref<2x5120xi32, #tpu.memory_space<vmem>>
    %dma_wait3A_137 = arith.constant 0 : i32
    %dma_wait3A_138 = tpu.memref_slice %arg2[%dma_wait3A_137, %add3A_91] : memref<2x320000xi32, #tpu.memory_space<hbm>> -> memref<2x5120xi32, #tpu.memory_space<hbm>>
    tpu.wait_dma2 semaphore(%arg15 : memref<!tpu.dma_semaphore, #tpu.memory_space<semaphore_mem>>) src(%dma_wait3A_138 : memref<2x5120xi32, #tpu.memory_space<hbm>>) dst(%dma_wait3A_136 : memref<2x5120xi32, #tpu.memory_space<vmem>>)
    %parallel_loop3A_139 = arith.constant 634 : i32
    %parallel_loop3A_140 = arith.constant 954 : i32
    %parallel_loop3A_141 = arith.constant 1 : i32
    scf.for %parallel_loop3A_178 = %parallel_loop3A_139 to %parallel_loop3A_140 step %parallel_loop3A_141  : i32 {
      %parallel_loop3A_179 = arith.constant 16 : i32
      %parallel_loop3A_180 = arith.muli %parallel_loop3A_178, %parallel_loop3A_179 : i32
      %parallel_loop3A_181 = arith.addi %sub3A_21, %parallel_loop3A_180 : i32
      %parallel_loop3A_182 = arith.constant 1 : i32
      %parallel_loop3A_183 = arith.index_cast %parallel_loop3A_182 : i32 to index
      %parallel_loop3A_184 = arith.index_cast %parallel_loop3A_181 : i32 to index
      %parallel_loop3A_185 = tpu.vector_load %arg4[%parallel_loop3A_183, %parallel_loop3A_184] {strides = array<i32>} : memref<2x20096xi32, #tpu.memory_space<vmem>>, vector<16xi32>,
      tpu.vector_store_idx %arg6[%parallel_loop3A_185], %broadcast_in_dim3A_80 {add = true} : memref<10240xf32, #tpu.memory_space<vmem>>[vector<16xi32>], vector<16xf32>,
    } {sc.loop_unroll_factor = 8 : i64, sc.parallel_access}
    %dma_wait3A_142 = arith.constant 0 : i32
    %dma_wait3A_143 = arith.constant 15360 : i32
    %dma_wait3A_144 = tpu.memref_slice %arg4[%dma_wait3A_142, %dma_wait3A_143] : memref<2x20096xi32, #tpu.memory_space<vmem>> -> memref<2x4736xi32, #tpu.memory_space<vmem>>
    %dma_wait3A_145 = arith.constant 0 : i32
    %dma_wait3A_146 = tpu.memref_slice %arg2[%dma_wait3A_145, %add3A_115] : memref<2x320000xi32, #tpu.memory_space<hbm>> -> memref<2x4736xi32, #tpu.memory_space<hbm>>
    %dma_wait3A_147 = arith.constant 0 : i32
    %dma_wait3A_148 = arith.constant 15360 : i32
    %dma_wait3A_149 = tpu.memref_slice %arg4[%dma_wait3A_147, %dma_wait3A_148] : memref<2x20096xi32, #tpu.memory_space<vmem>> -> memref<2x4736xi32, #tpu.memory_space<vmem>>
    %dma_wait3A_150 = arith.constant 0 : i32
    %dma_wait3A_151 = tpu.memref_slice %arg2[%dma_wait3A_150, %add3A_115] : memref<2x320000xi32, #tpu.memory_space<hbm>> -> memref<2x4736xi32, #tpu.memory_space<hbm>>
    tpu.wait_dma2 semaphore(%arg16 : memref<!tpu.dma_semaphore, #tpu.memory_space<semaphore_mem>>) src(%dma_wait3A_151 : memref<2x4736xi32, #tpu.memory_space<hbm>>) dst(%dma_wait3A_149 : memref<2x4736xi32, #tpu.memory_space<vmem>>)
    %parallel_loop3A_152 = arith.constant 954 : i32
    %parallel_loop3A_153 = arith.constant 1250 : i32
    %parallel_loop3A_154 = arith.constant 1 : i32
    scf.for %parallel_loop3A_178 = %parallel_loop3A_152 to %parallel_loop3A_153 step %parallel_loop3A_154  : i32 {
      %parallel_loop3A_179 = arith.constant 16 : i32
      %parallel_loop3A_180 = arith.muli %parallel_loop3A_178, %parallel_loop3A_179 : i32
      %parallel_loop3A_181 = arith.addi %sub3A_21, %parallel_loop3A_180 : i32
      %parallel_loop3A_182 = arith.constant 1 : i32
      %parallel_loop3A_183 = arith.index_cast %parallel_loop3A_182 : i32 to index
      %parallel_loop3A_184 = arith.index_cast %parallel_loop3A_181 : i32 to index
      %parallel_loop3A_185 = tpu.vector_load %arg4[%parallel_loop3A_183, %parallel_loop3A_184] {strides = array<i32>} : memref<2x20096xi32, #tpu.memory_space<vmem>>, vector<16xi32>,
      tpu.vector_store_idx %arg6[%parallel_loop3A_185], %broadcast_in_dim3A_80 {add = true} : memref<10240xf32, #tpu.memory_space<vmem>>[vector<16xi32>], vector<16xf32>,
    } {sc.loop_unroll_factor = 8 : i64, sc.parallel_access}
    "tpu.region"() ({
      %run_scoped3A_178 = tpu.sem_alloc : memref<!tpu.dma_semaphore, #tpu.memory_space<semaphore_mem>>
      %dma_start3A_179 = arith.constant 0 : i32
      %dma_start3A_180 = tpu.memref_slice %arg7[%arg1, %dma_start3A_179] : memref<16x10240xf32, #tpu.memory_space<vmem_shared>> -> memref<1x10240xf32, #tpu.memory_space<vmem_shared>>
      %dma_start3A_181 = tpu.memref_squeeze %dma_start3A_180 : memref<1x10240xf32, #tpu.memory_space<vmem_shared>> -> memref<10240xf32, #tpu.memory_space<vmem_shared>>
      %dma_start3A_182 = arith.constant 0 : i32
      %dma_start3A_183 = tpu.memref_slice %arg7[%arg1, %dma_start3A_182] : memref<16x10240xf32, #tpu.memory_space<vmem_shared>> -> memref<1x10240xf32, #tpu.memory_space<vmem_shared>>
      %dma_start3A_184 = tpu.memref_squeeze %dma_start3A_183 : memref<1x10240xf32, #tpu.memory_space<vmem_shared>> -> memref<10240xf32, #tpu.memory_space<vmem_shared>>
      tpu.enqueue_dma source(%arg6 : memref<10240xf32, #tpu.memory_space<vmem>>) target(%dma_start3A_184 : memref<10240xf32, #tpu.memory_space<vmem_shared>>) target_semaphore(%run_scoped3A_178 : memref<!tpu.dma_semaphore, #tpu.memory_space<semaphore_mem>>)
      %dma_wait3A_185 = arith.constant 0 : i32
      %dma_wait3A_186 = tpu.memref_slice %arg7[%arg1, %dma_wait3A_185] : memref<16x10240xf32, #tpu.memory_space<vmem_shared>> -> memref<1x10240xf32, #tpu.memory_space<vmem_shared>>
      %dma_wait3A_187 = tpu.memref_squeeze %dma_wait3A_186 : memref<1x10240xf32, #tpu.memory_space<vmem_shared>> -> memref<10240xf32, #tpu.memory_space<vmem_shared>>
      %dma_wait3A_188 = arith.constant 0 : i32
      %dma_wait3A_189 = tpu.memref_slice %arg7[%arg1, %dma_wait3A_188] : memref<16x10240xf32, #tpu.memory_space<vmem_shared>> -> memref<1x10240xf32, #tpu.memory_space<vmem_shared>>
      %dma_wait3A_190 = tpu.memref_squeeze %dma_wait3A_189 : memref<1x10240xf32, #tpu.memory_space<vmem_shared>> -> memref<10240xf32, #tpu.memory_space<vmem_shared>>
      tpu.wait_dma2 semaphore(%run_scoped3A_178 : memref<!tpu.dma_semaphore, #tpu.memory_space<semaphore_mem>>) src(%arg6 : memref<10240xf32, #tpu.memory_space<vmem>>) dst(%dma_wait3A_190 : memref<10240xf32, #tpu.memory_space<vmem_shared>>)
      tpu.yield
    }) : () -> ()
    %barrier3A = arith.constant 0 : index
    tpu.barrier barrier_id(%barrier3A)
    %mul3A_155 = arith.constant 640 : i32
    %mul3A_156 = arith.muli %arg1, %mul3A_155 : i32
    "tpu.region"() ({
      %run_scoped3A_178 = tpu.sem_alloc : memref<!tpu.dma_semaphore, #tpu.memory_space<semaphore_mem>>
      %dma_start3A_179 = arith.constant 0 : i32
      %dma_start3A_180 = tpu.memref_slice %arg7[%dma_start3A_179, %mul3A_156] : memref<16x10240xf32, #tpu.memory_space<vmem_shared>> -> memref<16x640xf32, #tpu.memory_space<vmem_shared>>
      %dma_start3A_181 = arith.constant 0 : i32
      %dma_start3A_182 = tpu.memref_slice %arg7[%dma_start3A_181, %mul3A_156] : memref<16x10240xf32, #tpu.memory_space<vmem_shared>> -> memref<16x640xf32, #tpu.memory_space<vmem_shared>>
      tpu.enqueue_dma source(%dma_start3A_182 : memref<16x640xf32, #tpu.memory_space<vmem_shared>>) target(%arg9 : memref<16x640xf32, #tpu.memory_space<vmem>>) target_semaphore(%run_scoped3A_178 : memref<!tpu.dma_semaphore, #tpu.memory_space<semaphore_mem>>)
      %dma_wait3A_183 = arith.constant 0 : i32
      %dma_wait3A_184 = tpu.memref_slice %arg7[%dma_wait3A_183, %mul3A_156] : memref<16x10240xf32, #tpu.memory_space<vmem_shared>> -> memref<16x640xf32, #tpu.memory_space<vmem_shared>>
      %dma_wait3A_185 = arith.constant 0 : i32
      %dma_wait3A_186 = tpu.memref_slice %arg7[%dma_wait3A_185, %mul3A_156] : memref<16x10240xf32, #tpu.memory_space<vmem_shared>> -> memref<16x640xf32, #tpu.memory_space<vmem_shared>>
      tpu.wait_dma2 semaphore(%run_scoped3A_178 : memref<!tpu.dma_semaphore, #tpu.memory_space<semaphore_mem>>) src(%dma_wait3A_186 : memref<16x640xf32, #tpu.memory_space<vmem_shared>>) dst(%arg9 : memref<16x640xf32, #tpu.memory_space<vmem>>)
      tpu.yield
    }) : () -> ()
    %broadcast_in_dim3A_157 = arith.constant 1.000000e+00 : f32
    %broadcast_in_dim3A_158 = vector.broadcast %broadcast_in_dim3A_157 : f32 to vector<16xf32>
    %scan3A_159 = arith.constant 0 : i32
    %scan3A_160 = arith.constant 0 : i32
    %scan3A_161 = arith.constant 40 : i32
    %scan3A_162 = arith.addi %scan3A_160, %scan3A_161 : i32
    %scan3A_163 = arith.constant 1 : i32
    scf.for %scan3A_178 = %scan3A_160 to %scan3A_162 step %scan3A_163  : i32 {
      %mul3A_179 = arith.constant 16 : i32
      %mul3A_180 = arith.muli %scan3A_178, %mul3A_179 : i32
      %get3A = arith.constant 0 : i32
      %get3A_181 = arith.index_cast %get3A : i32 to index
      %get3A_182 = arith.index_cast %mul3A_180 : i32 to index
      %get3A_183 = tpu.vector_load %arg9[%get3A_181, %get3A_182] {strides = array<i32>} : memref<16x640xf32, #tpu.memory_space<vmem>>, vector<16xf32>,
      %mul3A_184 = arith.constant 16 : i32
      %mul3A_185 = arith.muli %scan3A_178, %mul3A_184 : i32
      %get3A_186 = arith.constant 1 : i32
      %get3A_187 = arith.index_cast %get3A_186 : i32 to index
      %get3A_188 = arith.index_cast %mul3A_185 : i32 to index
      %get3A_189 = tpu.vector_load %arg9[%get3A_187, %get3A_188] {strides = array<i32>} : memref<16x640xf32, #tpu.memory_space<vmem>>, vector<16xf32>,
      %add3A_190 = arith.addf %get3A_183, %get3A_189 : vector<16xf32>
      %mul3A_191 = arith.constant 16 : i32
      %mul3A_192 = arith.muli %scan3A_178, %mul3A_191 : i32
      %get3A_193 = arith.constant 2 : i32
      %get3A_194 = arith.index_cast %get3A_193 : i32 to index
      %get3A_195 = arith.index_cast %mul3A_192 : i32 to index
      %get3A_196 = tpu.vector_load %arg9[%get3A_194, %get3A_195] {strides = array<i32>} : memref<16x640xf32, #tpu.memory_space<vmem>>, vector<16xf32>,
      %add3A_197 = arith.addf %add3A_190, %get3A_196 : vector<16xf32>
      %mul3A_198 = arith.constant 16 : i32
      %mul3A_199 = arith.muli %scan3A_178, %mul3A_198 : i32
      %get3A_200 = arith.constant 3 : i32
      %get3A_201 = arith.index_cast %get3A_200 : i32 to index
      %get3A_202 = arith.index_cast %mul3A_199 : i32 to index
      %get3A_203 = tpu.vector_load %arg9[%get3A_201, %get3A_202] {strides = array<i32>} : memref<16x640xf32, #tpu.memory_space<vmem>>, vector<16xf32>,
      %add3A_204 = arith.addf %add3A_197, %get3A_203 : vector<16xf32>
      %mul3A_205 = arith.constant 16 : i32
      %mul3A_206 = arith.muli %scan3A_178, %mul3A_205 : i32
      %get3A_207 = arith.constant 4 : i32
      %get3A_208 = arith.index_cast %get3A_207 : i32 to index
      %get3A_209 = arith.index_cast %mul3A_206 : i32 to index
      %get3A_210 = tpu.vector_load %arg9[%get3A_208, %get3A_209] {strides = array<i32>} : memref<16x640xf32, #tpu.memory_space<vmem>>, vector<16xf32>,
      %add3A_211 = arith.addf %add3A_204, %get3A_210 : vector<16xf32>
      %mul3A_212 = arith.constant 16 : i32
      %mul3A_213 = arith.muli %scan3A_178, %mul3A_212 : i32
      %get3A_214 = arith.constant 5 : i32
      %get3A_215 = arith.index_cast %get3A_214 : i32 to index
      %get3A_216 = arith.index_cast %mul3A_213 : i32 to index
      %get3A_217 = tpu.vector_load %arg9[%get3A_215, %get3A_216] {strides = array<i32>} : memref<16x640xf32, #tpu.memory_space<vmem>>, vector<16xf32>,
      %add3A_218 = arith.addf %add3A_211, %get3A_217 : vector<16xf32>
      %mul3A_219 = arith.constant 16 : i32
      %mul3A_220 = arith.muli %scan3A_178, %mul3A_219 : i32
      %get3A_221 = arith.constant 6 : i32
      %get3A_222 = arith.index_cast %get3A_221 : i32 to index
      %get3A_223 = arith.index_cast %mul3A_220 : i32 to index
      %get3A_224 = tpu.vector_load %arg9[%get3A_222, %get3A_223] {strides = array<i32>} : memref<16x640xf32, #tpu.memory_space<vmem>>, vector<16xf32>,
      %add3A_225 = arith.addf %add3A_218, %get3A_224 : vector<16xf32>
      %mul3A_226 = arith.constant 16 : i32
      %mul3A_227 = arith.muli %scan3A_178, %mul3A_226 : i32
      %get3A_228 = arith.constant 7 : i32
      %get3A_229 = arith.index_cast %get3A_228 : i32 to index
      %get3A_230 = arith.index_cast %mul3A_227 : i32 to index
      %get3A_231 = tpu.vector_load %arg9[%get3A_229, %get3A_230] {strides = array<i32>} : memref<16x640xf32, #tpu.memory_space<vmem>>, vector<16xf32>,
      %add3A_232 = arith.addf %add3A_225, %get3A_231 : vector<16xf32>
      %mul3A_233 = arith.constant 16 : i32
      %mul3A_234 = arith.muli %scan3A_178, %mul3A_233 : i32
      %get3A_235 = arith.constant 8 : i32
      %get3A_236 = arith.index_cast %get3A_235 : i32 to index
      %get3A_237 = arith.index_cast %mul3A_234 : i32 to index
      %get3A_238 = tpu.vector_load %arg9[%get3A_236, %get3A_237] {strides = array<i32>} : memref<16x640xf32, #tpu.memory_space<vmem>>, vector<16xf32>,
      %add3A_239 = arith.addf %add3A_232, %get3A_238 : vector<16xf32>
      %mul3A_240 = arith.constant 16 : i32
      %mul3A_241 = arith.muli %scan3A_178, %mul3A_240 : i32
      %get3A_242 = arith.constant 9 : i32
      %get3A_243 = arith.index_cast %get3A_242 : i32 to index
      %get3A_244 = arith.index_cast %mul3A_241 : i32 to index
      %get3A_245 = tpu.vector_load %arg9[%get3A_243, %get3A_244] {strides = array<i32>} : memref<16x640xf32, #tpu.memory_space<vmem>>, vector<16xf32>,
      %add3A_246 = arith.addf %add3A_239, %get3A_245 : vector<16xf32>
      %mul3A_247 = arith.constant 16 : i32
      %mul3A_248 = arith.muli %scan3A_178, %mul3A_247 : i32
      %get3A_249 = arith.constant 10 : i32
      %get3A_250 = arith.index_cast %get3A_249 : i32 to index
      %get3A_251 = arith.index_cast %mul3A_248 : i32 to index
      %get3A_252 = tpu.vector_load %arg9[%get3A_250, %get3A_251] {strides = array<i32>} : memref<16x640xf32, #tpu.memory_space<vmem>>, vector<16xf32>,
      %add3A_253 = arith.addf %add3A_246, %get3A_252 : vector<16xf32>
      %mul3A_254 = arith.constant 16 : i32
      %mul3A_255 = arith.muli %scan3A_178, %mul3A_254 : i32
      %get3A_256 = arith.constant 11 : i32
      %get3A_257 = arith.index_cast %get3A_256 : i32 to index
      %get3A_258 = arith.index_cast %mul3A_255 : i32 to index
      %get3A_259 = tpu.vector_load %arg9[%get3A_257, %get3A_258] {strides = array<i32>} : memref<16x640xf32, #tpu.memory_space<vmem>>, vector<16xf32>,
      %add3A_260 = arith.addf %add3A_253, %get3A_259 : vector<16xf32>
      %mul3A_261 = arith.constant 16 : i32
      %mul3A_262 = arith.muli %scan3A_178, %mul3A_261 : i32
      %get3A_263 = arith.constant 12 : i32
      %get3A_264 = arith.index_cast %get3A_263 : i32 to index
      %get3A_265 = arith.index_cast %mul3A_262 : i32 to index
      %get3A_266 = tpu.vector_load %arg9[%get3A_264, %get3A_265] {strides = array<i32>} : memref<16x640xf32, #tpu.memory_space<vmem>>, vector<16xf32>,
      %add3A_267 = arith.addf %add3A_260, %get3A_266 : vector<16xf32>
      %mul3A_268 = arith.constant 16 : i32
      %mul3A_269 = arith.muli %scan3A_178, %mul3A_268 : i32
      %get3A_270 = arith.constant 13 : i32
      %get3A_271 = arith.index_cast %get3A_270 : i32 to index
      %get3A_272 = arith.index_cast %mul3A_269 : i32 to index
      %get3A_273 = tpu.vector_load %arg9[%get3A_271, %get3A_272] {strides = array<i32>} : memref<16x640xf32, #tpu.memory_space<vmem>>, vector<16xf32>,
      %add3A_274 = arith.addf %add3A_267, %get3A_273 : vector<16xf32>
      %mul3A_275 = arith.constant 16 : i32
      %mul3A_276 = arith.muli %scan3A_178, %mul3A_275 : i32
      %get3A_277 = arith.constant 14 : i32
      %get3A_278 = arith.index_cast %get3A_277 : i32 to index
      %get3A_279 = arith.index_cast %mul3A_276 : i32 to index
      %get3A_280 = tpu.vector_load %arg9[%get3A_278, %get3A_279] {strides = array<i32>} : memref<16x640xf32, #tpu.memory_space<vmem>>, vector<16xf32>,
      %add3A_281 = arith.addf %add3A_274, %get3A_280 : vector<16xf32>
      %mul3A_282 = arith.constant 16 : i32
      %mul3A_283 = arith.muli %scan3A_178, %mul3A_282 : i32
      %get3A_284 = arith.constant 15 : i32
      %get3A_285 = arith.index_cast %get3A_284 : i32 to index
      %get3A_286 = arith.index_cast %mul3A_283 : i32 to index
      %get3A_287 = tpu.vector_load %arg9[%get3A_285, %get3A_286] {strides = array<i32>} : memref<16x640xf32, #tpu.memory_space<vmem>>, vector<16xf32>,
      %add3A_288 = arith.addf %add3A_281, %get3A_287 : vector<16xf32>
      %div3A_289 = arith.divf %broadcast_in_dim3A_158, %add3A_288 : vector<16xf32>
      %mul3A_290 = arith.constant 16 : i32
      %mul3A_291 = arith.muli %scan3A_178, %mul3A_290 : i32
      %swap3A = arith.index_cast %mul3A_291 : i32 to index
      %swap3A_292 = tpu.vector_load %arg10[%swap3A] {strides = array<i32>} : memref<640xf32, #tpu.memory_space<vmem>>, vector<16xf32>,
      tpu.vector_store %arg10[%swap3A], %div3A_289 {strides = array<i32>} : memref<640xf32, #tpu.memory_space<vmem>>, vector<16xf32>,
    }
    %scan3A_164 = arith.constant 40 : i32
    %mul3A_165 = arith.constant 640 : i32
    %mul3A_166 = arith.muli %arg1, %mul3A_165 : i32
    "tpu.region"() ({
      %run_scoped3A_178 = tpu.sem_alloc : memref<!tpu.dma_semaphore, #tpu.memory_space<semaphore_mem>>
      %dma_start3A_179 = tpu.memref_slice %arg8[%mul3A_166] : memref<10240xf32, #tpu.memory_space<vmem_shared>> -> memref<640xf32, #tpu.memory_space<vmem_shared>>
      %dma_start3A_180 = tpu.memref_slice %arg8[%mul3A_166] : memref<10240xf32, #tpu.memory_space<vmem_shared>> -> memref<640xf32, #tpu.memory_space<vmem_shared>>
      tpu.enqueue_dma source(%arg10 : memref<640xf32, #tpu.memory_space<vmem>>) target(%dma_start3A_180 : memref<640xf32, #tpu.memory_space<vmem_shared>>) target_semaphore(%run_scoped3A_178 : memref<!tpu.dma_semaphore, #tpu.memory_space<semaphore_mem>>)
      %dma_wait3A_181 = tpu.memref_slice %arg8[%mul3A_166] : memref<10240xf32, #tpu.memory_space<vmem_shared>> -> memref<640xf32, #tpu.memory_space<vmem_shared>>
      %dma_wait3A_182 = tpu.memref_slice %arg8[%mul3A_166] : memref<10240xf32, #tpu.memory_space<vmem_shared>> -> memref<640xf32, #tpu.memory_space<vmem_shared>>
      tpu.wait_dma2 semaphore(%run_scoped3A_178 : memref<!tpu.dma_semaphore, #tpu.memory_space<semaphore_mem>>) src(%arg10 : memref<640xf32, #tpu.memory_space<vmem>>) dst(%dma_wait3A_182 : memref<640xf32, #tpu.memory_space<vmem_shared>>)
      tpu.yield
    }) : () -> ()
    %barrier3A_167 = arith.constant 0 : index
    tpu.barrier barrier_id(%barrier3A_167)
    "tpu.region"() ({
      %run_scoped3A_178 = tpu.sem_alloc : memref<!tpu.dma_semaphore, #tpu.memory_space<semaphore_mem>>
      tpu.enqueue_dma source(%arg8 : memref<10240xf32, #tpu.memory_space<vmem_shared>>) target(%arg11 : memref<10240xf32, #tpu.memory_space<vmem>>) target_semaphore(%run_scoped3A_178 : memref<!tpu.dma_semaphore, #tpu.memory_space<semaphore_mem>>)
      tpu.wait_dma2 semaphore(%run_scoped3A_178 : memref<!tpu.dma_semaphore, #tpu.memory_space<semaphore_mem>>) src(%arg8 : memref<10240xf32, #tpu.memory_space<vmem_shared>>) dst(%arg11 : memref<10240xf32, #tpu.memory_space<vmem>>)
      tpu.yield
    }) : () -> ()
    %eq3A_168 = arith.constant 0 : i32
    %eq3A_169 = arith.cmpi eq, %arg0, %eq3A_168 : i32
    %convert_element_type3A_170 = arith.extui %eq3A_169 : i1 to i32
    %cond3A_171 = arith.constant 0 : i32
    %cond3A_172 = arith.cmpi ne, %convert_element_type3A_170, %cond3A_171 : i32
    scf.if %cond3A_172 {
      %parallel_loop3A_178 = arith.constant 0 : i32
      %parallel_loop3A_179 = arith.constant 632 : i32
      %parallel_loop3A_180 = arith.constant 1 : i32
      scf.for %parallel_loop3A_181 = %parallel_loop3A_178 to %parallel_loop3A_179 step %parallel_loop3A_180  : i32 {
        %parallel_loop3A_182 = arith.constant 16 : i32
        %parallel_loop3A_183 = arith.muli %parallel_loop3A_181, %parallel_loop3A_182 : i32
        %parallel_loop3A_184 = arith.constant 1 : i32
        %parallel_loop3A_185 = arith.index_cast %parallel_loop3A_184 : i32 to index
        %parallel_loop3A_186 = arith.index_cast %parallel_loop3A_183 : i32 to index
        %parallel_loop3A_187 = tpu.vector_load %arg4[%parallel_loop3A_185, %parallel_loop3A_186] {strides = array<i32>} : memref<2x20096xi32, #tpu.memory_space<vmem>>, vector<16xi32>,
        %parallel_loop3A_188 = tpu.vector_load_idx %arg11[%parallel_loop3A_187] : memref<10240xf32, #tpu.memory_space<vmem>>[vector<16xi32>], vector<16xf32>,
        %parallel_loop3A_189 = arith.constant 16 : i32
        %parallel_loop3A_190 = arith.muli %parallel_loop3A_181, %parallel_loop3A_189 : i32
        %parallel_loop3A_191 = arith.index_cast %parallel_loop3A_190 : i32 to index
        %parallel_loop3A_192 = tpu.vector_load %arg12[%parallel_loop3A_191] {strides = array<i32>} : memref<10112xf32, #tpu.memory_space<vmem>>, vector<16xf32>,
        tpu.vector_store %arg12[%parallel_loop3A_191], %parallel_loop3A_188 {strides = array<i32>} : memref<10112xf32, #tpu.memory_space<vmem>>, vector<16xf32>,
      } {sc.loop_unroll_factor = 8 : i64, sc.parallel_access}
    } else {
    }
    %eq3A_173 = arith.constant 1 : i32
    %eq3A_174 = arith.cmpi eq, %arg0, %eq3A_173 : i32
    %convert_element_type3A_175 = arith.extui %eq3A_174 : i1 to i32
    %cond3A_176 = arith.constant 0 : i32
    %cond3A_177 = arith.cmpi ne, %convert_element_type3A_175, %cond3A_176 : i32
    scf.if %cond3A_177 {
      %dma_wait3A_178 = arith.constant 0 : i32
      %dma_wait3A_179 = tpu.memref_slice %arg2[%dma_wait3A_178, %mul3A_72] : memref<2x320000xi32, #tpu.memory_space<hbm>> -> memref<2x10112xi32, #tpu.memory_space<hbm>>
      %dma_wait3A_180 = arith.constant 0 : i32
      %dma_wait3A_181 = tpu.memref_slice %arg2[%dma_wait3A_180, %mul3A_72] : memref<2x320000xi32, #tpu.memory_space<hbm>> -> memref<2x10112xi32, #tpu.memory_space<hbm>>
      tpu.wait_dma2 semaphore(%arg17 : memref<!tpu.dma_semaphore, #tpu.memory_space<semaphore_mem>>) src(%dma_wait3A_181 : memref<2x10112xi32, #tpu.memory_space<hbm>>) dst(%arg5 : memref<2x10112xi32, #tpu.memory_space<vmem>>)
      %parallel_loop3A_182 = arith.constant 0 : i32
      %parallel_loop3A_183 = arith.constant 632 : i32
      %parallel_loop3A_184 = arith.constant 1 : i32
      scf.for %parallel_loop3A_185 = %parallel_loop3A_182 to %parallel_loop3A_183 step %parallel_loop3A_184  : i32 {
        %parallel_loop3A_186 = arith.constant 16 : i32
        %parallel_loop3A_187 = arith.muli %parallel_loop3A_185, %parallel_loop3A_186 : i32
        %parallel_loop3A_188 = arith.constant 1 : i32
        %parallel_loop3A_189 = arith.index_cast %parallel_loop3A_188 : i32 to index
        %parallel_loop3A_190 = arith.index_cast %parallel_loop3A_187 : i32 to index
        %parallel_loop3A_191 = tpu.vector_load %arg5[%parallel_loop3A_189, %parallel_loop3A_190] {strides = array<i32>} : memref<2x10112xi32, #tpu.memory_space<vmem>>, vector<16xi32>,
        %parallel_loop3A_192 = tpu.vector_load_idx %arg11[%parallel_loop3A_191] : memref<10240xf32, #tpu.memory_space<vmem>>[vector<16xi32>], vector<16xf32>,
        %parallel_loop3A_193 = arith.constant 16 : i32
        %parallel_loop3A_194 = arith.muli %parallel_loop3A_185, %parallel_loop3A_193 : i32
        %parallel_loop3A_195 = arith.index_cast %parallel_loop3A_194 : i32 to index
        %parallel_loop3A_196 = tpu.vector_load %arg12[%parallel_loop3A_195] {strides = array<i32>} : memref<10112xf32, #tpu.memory_space<vmem>>, vector<16xf32>,
        tpu.vector_store %arg12[%parallel_loop3A_195], %parallel_loop3A_192 {strides = array<i32>} : memref<10112xf32, #tpu.memory_space<vmem>>, vector<16xf32>,
      } {sc.loop_unroll_factor = 8 : i64, sc.parallel_access}
    } else {
    }
    %run_scoped3A = arith.constant 0 : i32
    "tpu.region"() ({
      %run_scoped3A_178 = tpu.sem_alloc : memref<!tpu.dma_semaphore, #tpu.memory_space<semaphore_mem>>
      %dma_start3A_179 = tpu.memref_slice %arg3[%run_scoped3A, %mul3A_72] : memref<1x320000xf32, #tpu.memory_space<hbm>> -> memref<1x10112xf32, #tpu.memory_space<hbm>>
      %dma_start3A_180 = tpu.memref_squeeze %dma_start3A_179 : memref<1x10112xf32, #tpu.memory_space<hbm>> -> memref<10112xf32, #tpu.memory_space<hbm>>
      %dma_start3A_181 = tpu.memref_slice %arg3[%run_scoped3A, %mul3A_72] : memref<1x320000xf32, #tpu.memory_space<hbm>> -> memref<1x10112xf32, #tpu.memory_space<hbm>>
      %dma_start3A_182 = tpu.memref_squeeze %dma_start3A_181 : memref<1x10112xf32, #tpu.memory_space<hbm>> -> memref<10112xf32, #tpu.memory_space<hbm>>
      tpu.enqueue_dma source(%arg12 : memref<10112xf32, #tpu.memory_space<vmem>>) target(%dma_start3A_182 : memref<10112xf32, #tpu.memory_space<hbm>>) target_semaphore(%run_scoped3A_178 : memref<!tpu.dma_semaphore, #tpu.memory_space<semaphore_mem>>)
      %dma_wait3A_183 = tpu.memref_slice %arg3[%run_scoped3A, %mul3A_72] : memref<1x320000xf32, #tpu.memory_space<hbm>> -> memref<1x10112xf32, #tpu.memory_space<hbm>>
      %dma_wait3A_184 = tpu.memref_squeeze %dma_wait3A_183 : memref<1x10112xf32, #tpu.memory_space<hbm>> -> memref<10112xf32, #tpu.memory_space<hbm>>
      %dma_wait3A_185 = tpu.memref_slice %arg3[%run_scoped3A, %mul3A_72] : memref<1x320000xf32, #tpu.memory_space<hbm>> -> memref<1x10112xf32, #tpu.memory_space<hbm>>
      %dma_wait3A_186 = tpu.memref_squeeze %dma_wait3A_185 : memref<1x10112xf32, #tpu.memory_space<hbm>> -> memref<10112xf32, #tpu.memory_space<hbm>>
      tpu.wait_dma2 semaphore(%run_scoped3A_178 : memref<!tpu.dma_semaphore, #tpu.memory_space<semaphore_mem>>) src(%arg12 : memref<10112xf32, #tpu.memory_space<vmem>>) dst(%dma_wait3A_186 : memref<10112xf32, #tpu.memory_space<hbm>>)
      tpu.yield
    }) : () -> ()
    return
  }
}

</mosaic_0001>

<sc_bundles>
// kernel: kernel.3.cloned.1.call-start
scs
__scs_entry_jumppad:
0x0: {  	(pc) =	sbr.rel $0x88, $3  }
0x1: {  	(tag) =	ssettag $0x0;
	lr =	simm.s32 $0x1  }
0x2: {  	[smem:$0x3FA0] =	sst lr;
	_ =	strace $0xD0000000  }
0x3: {  	_ = 	snop  }
0x4: {  	_ = 	snop  }
0x5: {  	_ = 	snop  }
0x6: {  	_ = 	snop  }
0x7: {  	_ = 	snop  }
__scs_overlays_trampoline_lowered:
0x8: {  	[smem:$0x3FAF] =	sst s0  }
0x9: {  	[smem:$0x3FB0] =	sst s1  }
0xa: {  	[smem:$0x3FB1] =	sst s2  }
0xb: {  	[smem:$0x3FB2] =	sst s3  }
0xc: {  	[smem:$0x3FB3] =	sst s4  }
0xd: {  	[smem:$0x3FB4] =	sst s5  }
0xe: {  	[smem:$0x3FB5] =	sst s6  }
0xf: {  	[smem:$0x3FB6] =	sst s7  }
0x10: {  	[smem:$0x3FB7] =	sst s8  }
0x11: {  	[smem:$0x3FB8] =	sst s9;
	s0 =	simm.s32 @!p0 $0x0  }
0x12: {  	s1 =	sld [smem:$0x3F9E];
	s0 =	simm.s32 @p0 $0x1  }
0x13: {  	[smem:$0x3FB9] =	sst s0;
	s0 =	simm.s32 @!p1 $0x0  }
0x14: {  	s2 =	sld [smem:$0x3F9D];
	s0 =	simm.s32 @p1 $0x1  }
0x15: {  	[smem:$0x3FBA] =	sst s0;
	s0 =	simm.s32 @!p2 $0x0  }
0x16: {  	s3 =	sld [smem:$0x3FDB];
	s0 =	simm.s32 @p2 $0x1  }
0x17: {  	s4 =	simm.s32 $0x1BF5;
	[smem:$0x3FBC] =	sst s0  }
0x18: {  	s0 =	sld [smem:$0x3F9F];
	_ =	swait.ge [sflag:s4], $0x0  }
0x19: {  	s7 =	sld [smem:$0x3FA0]  }
0x1a: {  	s8 =	sadd.s32 $0xFFFFE003, lr  }
0x1b: {  	s9 =	sadd.s32 $0xFFFFFEF7, lr;
	s5 =	simm.s32 $0xFFFFFFFF;
	p2 =	slt.u32 s8, $0xFFFFF086  }
0x1c: {  	p1 =	slt.u32 s9, $0xF7A;
	s5 =	simm.s32 @!p2 $0x0  }
0x1d: {  	s5 =	simm.s32 @p1 $0x1;
	p0 =	seq.s32 s7, s2  }
0x1e: {  	s7 =	smul.u32 @!p0 $0xF7A, s2;
	p2 =	seq.s32 @!p0 s5, $0x0  }
0x1f: {  	s9 =	smul.u32 $0xF7A, s1;
	s8 =	simm.s32 @!p0 $0x1BF5;
	p2 =	por !p2, p0  }
0x20: {  	[sflag:s8] =	ssyncset.s32 @!p0 $0xFFFFF086;
	s6 =	sadd.s32 @!p0 s3, s7;
	s7 =	simm.s32 @!p0 $0x108  }
0x21: {  	s3 =	sadd.s32 s3, s9;
	s6 =	sadd.s32 @!p0 $0x88, s6;
	s7 =	simm.s32 @p2 $0x1082  }
0x22: {  	[simem:s7], [sflag:s8] =	dma.local @!p0 [hbm:s6], $0xF7A  }
0x23: {  	s9 =	sor.u32 $0xD0000000, s2;
	s6 =	simm.s32 $0x108;
	_ =	swait.ge @!p0 [sflag:s8], $0x0  }
0x24: {  	s3 =	sadd.s32 $0x88, s3;
	s6 =	simm.s32 @!p1 $0x1082;
	[sflag:s4] =	ssyncset.s32 $0xFFFFF086  }
0x25: {  	[simem:s6], [sflag:s4] =	dma.local [hbm:s3], $0xF7A  }
0x26: {  	[smem:$0x3FA0] =	sst s1;
	(tag) =	ssettag s2;
	_ =	strace s9  }
0x27: {  	s1 =	sld [smem:$0x3FB0]  }
0x28: {  	s2 =	sld [smem:$0x3FB1]  }
0x29: {  	s4 =	sld [smem:$0x3FB3]  }
0x2a: {  	p0 =	seq.s32 s5, $0x0;
	s5 =	sld [smem:$0x3FB4]  }
0x2b: {  	s6 =	sld [smem:$0x3FB5]  }
0x2c: {  	s7 =	sld [smem:$0x3FB6]  }
0x2d: {  	s3 =	simm.s32 $0x108;
	s8 =	sld [smem:$0x3FB7]  }
0x2e: {  	s3 =	simm.s32 @!p0 $0x1082;
	s9 =	sld [smem:$0x3FB8]  }
0x2f: {  	lr =	sadd.s32 s0, s3;
	s0 =	sld [smem:$0x3FAF]  }
0x30: {  	s3 =	sld [smem:$0x3FB2]  }
0x31: {  	[smem:$0x3FBB] =	sst s10  }
0x32: {  	s10 =	sld [smem:$0x3FB9];
	_ =	sdelay $0x3  }
0x33: {  	p0 =	seq.s32 s10, $0x1;
	s10 =	sld [smem:$0x3FBB];
	_ =	sdelay $0x3  }
0x34: {  	[smem:$0x3FBB] =	sst s10  }
0x35: {  	s10 =	sld [smem:$0x3FBA];
	_ =	sdelay $0x3  }
0x36: {  	p1 =	seq.s32 s10, $0x1;
	s10 =	sld [smem:$0x3FBB];
	_ =	sdelay $0x3  }
0x37: {  	[smem:$0x3FBB] =	sst s10  }
0x38: {  	s10 =	sld [smem:$0x3FBC]  }
0x39: {  	_ = 	snop;
	(pc) =	sbr.ind lr, $3  }
0x3a: {  	_ = 	snop  }
0x3b: {  	_ = 	snop  }
0x3c: {  	p2 =	seq.s32 s10, $0x1;
	s10 =	sld [smem:$0x3FBB]  }
0x3d: {  	_ =	shalt  }
0x3e: {  	_ =	shalt  }
0x3f: {  	_ =	shalt  }
0x40: {  	_ =	shalt  }
0x41: {  	_ =	shalt  }
0x42: {  	_ =	shalt  }
0x43: {  	_ =	shalt  }
0x44: {  	_ =	shalt  }
0x45: {  	_ =	shalt  }
0x46: {  	_ =	shalt  }
0x47: {  	_ =	shalt  }
0x48: {  	_ =	shalt  }
0x49: {  	_ =	shalt  }
0x4a: {  	_ =	shalt  }
0x4b: {  	_ =	shalt  }
0x4c: {  	_ =	shalt  }
0x4d: {  	_ =	shalt  }
0x4e: {  	_ =	shalt  }
0x4f: {  	_ =	shalt  }
0x50: {  	_ =	shalt  }
0x51: {  	_ =	shalt  }
0x52: {  	_ =	shalt  }
0x53: {  	_ =	shalt  }
0x54: {  	_ =	shalt  }
0x55: {  	_ =	shalt  }
0x56: {  	_ =	shalt  }
0x57: {  	_ =	shalt  }
0x58: {  	_ =	shalt  }
0x59: {  	_ =	shalt  }
0x5a: {  	_ =	shalt  }
0x5b: {  	_ =	shalt  }
0x5c: {  	_ =	shalt  }
0x5d: {  	_ =	shalt  }
0x5e: {  	_ =	shalt  }
0x5f: {  	_ =	shalt  }
0x60: {  	_ =	shalt  }
0x61: {  	_ =	shalt  }
0x62: {  	_ =	shalt  }
0x63: {  	_ =	shalt  }
0x64: {  	_ =	shalt  }
0x65: {  	_ =	shalt  }
0x66: {  	_ =	shalt  }
0x67: {  	_ =	shalt  }
0x68: {  	_ =	shalt  }
0x69: {  	_ =	shalt  }
0x6a: {  	_ =	shalt  }
0x6b: {  	_ =	shalt  }
0x6c: {  	_ =	shalt  }
0x6d: {  	_ =	shalt  }
0x6e: {  	_ =	shalt  }
0x6f: {  	_ =	shalt  }
0x70: {  	_ =	shalt  }
0x71: {  	_ =	shalt  }
0x72: {  	_ =	shalt  }
0x73: {  	_ =	shalt  }
0x74: {  	_ =	shalt  }
0x75: {  	_ =	shalt  }
0x76: {  	_ =	shalt  }
0x77: {  	_ =	shalt  }
0x78: {  	_ =	shalt  }
0x79: {  	_ =	shalt  }
0x7a: {  	_ =	shalt  }
0x7b: {  	_ =	shalt  }
0x7c: {  	_ =	shalt  }
0x7d: {  	_ =	shalt  }
0x7e: {  	_ =	shalt  }
0x7f: {  	_ =	shalt  }
0x80: {  	_ =	shalt  }
0x81: {  	_ =	shalt  }
0x82: {  	_ =	shalt  }
0x83: {  	_ =	shalt  }
0x84: {  	_ =	shalt  }
0x85: {  	_ =	shalt  }
0x86: {  	_ =	shalt  }
0x87: {  	_ =	shalt  }
.Lfunc_end0:
.L_simem_size_0:
called_computation_lowered:
.L_overlay_start_0:
0x88: {  	s2 =	sld [smem:$0x3FD9]  }
0x89: {  	s3 =	sld [smem:$0x3FFE];
	_ =	sdelay $0x1  }
0x8a: {  	s1 =	srdreg.scid  }
0x8b: {  	s0 =	sand.u32 $0x1, s1  }
0x8c: {  	s18 =	sshll.u32 s0, $0xA;
	s2 =	sadd.s32 s3, s2  }
0x8d: {  	s2 =	sadd.s32 s2, s18  }
0x8e: {  	[smem:$0x3FC7] =	sst s2  }
0x8f: {  	_ = 	snop  }
0x90: {  	s2 =	sld [smem:$0x3FC9]  }
0x91: {  	s19 =	sld [smem:$0x3FD0];
	(tm) =	ssettm $0x1  }
0x92: {  	s4 =	sld [smem:$0x3FFB];
	_ =	sdelay $0x3  }
0x93: {  	_ =	strace s4  }
0x94: {  	s4 =	sld [smem:$0x3FFC];
	_ =	sdelay $0x3  }
0x95: {  	_ =	strace s4  }
0x96: {  	s4 =	sld [smem:$0x3FFD];
	_ =	sdelay $0x3  }
0x97: {  	_ =	strace s4  }
0x98: {  	_ =	strace $0x8FFFFFFF  }
0x99: {  	s20 =	sld [smem:$0x3FDB];
	_ =	sdelay $0x1  }
0x9a: {  	s5 =	simm.s32 $_scs_section_size  }
0x9b: {  	s6 =	simm.s32 $_size__tile_overlayer_lowered;
	s7 =	simm.s32 $_tile_overlayer_lowered  }
0x9c: {  	s23 =	simm.s32 $0x1BFF;
	s22 =	sshll.u32 s7, $0x1;
	s4 =	sadd.s32 s5, s20  }
0x9d: {  	s8 =	simm.s32 $0x0;
	s21 =	sshll.u32 s6, $0x1;
	s6 =	sadd.s32 s22, s4  }
0x9e: {  	[timem:s8], [sflag:s23] =	dma.local [hbm:s6], s21  }
0x9f: {  	_ =	swait.ge [sflag:s23], s21  }
0xa0: {  	s5 =	ssub.s32 $0x0, s21;
	[sflag:s23] =	ssyncset.done $0x0  }
0xa1: {  	[sflag:s23] =	ssyncadd.s32 s5;
	_ =	sdelay $0x1  }
0xa2: {  	s24 =	simm.s32 $0x1B8B  }
0xa3: {  	_ =	swait.ge [sflag:s24], $0x1  }
0xa4: {  	[sflag:s24] =	ssyncset.done $0x0  }
0xa5: {  	s25 =	simm.s32 $0x1B8E;
	[sflag:s24] =	ssyncadd.s32 $0xFFFFFFFF  }
0xa6: {  	s26 =	simm.s32 $execute0_lowered;
	[smem:$0x3FD2] =	sst s25  }
0xa7: {  	s5 =	sshll.u32 s26, $0x1;
	_ =	strace $0x80000046;
	[dreg:$0x1] =	wrdreg $0xFFFFFFFF  }
0xa8: {  	s28 =	simm.s32 $_size_execute0_lowered;
	s4 =	sadd.s32 s4, s5;
	[dreg:$0x0] =	wrdreg $0x0  }
0xa9: {  	s5 =	sshll.u32 s28, $0x1;
	[dreg:$0x2] =	wrdreg s4  }
0xaa: {  	[dreg:$0x3] =	wrdreg s5  }
0xab: {  	[dreg:$0x4] =	wrdreg $0xC0  }
0xac: {  	_ =	task [dreg:s8], $0x5FFFF  }
0xad: {  	[dreg:$0x1] =	wrdreg $0xFFFFFFFF  }
0xae: {  	[dreg:$0x0] =	wrdreg $0x60  }
0xaf: {  	[dreg:$0x2] =	wrdreg s2  }
0xb0: {  	[dreg:$0x3] =	wrdreg s19  }
0xb1: {  	[dreg:$0x4] =	wrdreg $0x114000  }
0xb2: {  	[dreg:$0x5] =	wrdreg $0x13C000  }
0xb3: {  	[dreg:$0x6] =	wrdreg $0x9  }
0xb4: {  	_ =	task.clear_ibuf [dreg:s8], $0x7FFFF;
	_ =	strace $0x90000046  }
0xb5: {  	s29 =	simm.s32 $0x9;
	_ =	strace $0x80000048  }
0xb6: {  	_ =	swait.ge [sflag:s29], $0x1  }
0xb7: {  	[sflag:s29] =	ssyncadd.s32 $0xFFFFFFFF  }
0xb8: {  	_ =	strace $0x90000048  }
0xb9: {  	_ =	sfence  }
0xba: {  	s30 =	sld [smem:$0x0];
	_ =	sdelay $0x2  }
0xbb: {  	s31 =	sshll.u32 s1, $0xD;
	s1 =	sshrl.u32 s1, $0x2  }
0xbc: {  	s3 =	sand.u32 $0x4000, s31;
	s1 =	sadd.s32 s1, s30  }
0xbd: {  	s0 =	sor.u32 s3, s0;
	s1 =	sshll.u32 s1, $0x11  }
0xbe: {  	s0 =	sor.u32 s1, s0  }
0xbf: {  	s0 =	sadd.s32 $0x8F2B, s0  }
0xc0: {  	[sflag:s0] =	ssyncadd.remote.s32 $0x1  }
0xc1: {  	_ =	sfence.sel $0xFFFF  }
0xc2: {  	[dreg:$0x0] =	wrdreg $0xFFFFFFFF;
	(pc) =	sbr.abs _section_cstart, $3  }
0xc3: {  	[dreg:$0x1] =	wrdreg $0xFFFFFFFF  }
0xc4: {  	_ =	task.clear_ibuf [dreg:s8], $0x2FFFF;
	_ =	strace $0x9FFFFFFF  }
0xc5: {  	(tm) =	ssettm $0x7FFFFFFF  }
tec
execute0_lowered:
.L_overlay_start_1:
0x0: {  	(tag) =	ssettag $0x1  }
0x1: {  	s0 =	srdreg.scid;
	s2 =	rddreg [dreg:$0x0]  }
0x2: {  	s26 =	stileid.u32;
	s16 =	rddreg [dreg:$0x1]  }
0x3: {  	s9 =	rddreg [dreg:$0x2];
	s19 =	sand.u32 $0x1, s0;
	s3 =	smul.u32 $0x4E20, s26  }
0x4: {  	s6 =	sshll.u32 s26, $0x1;
	s10 =	sshrl.u32 s26, $0x3;
	s22 =	smul.u32 $0x5000, s26  }
0x5: {  	s20 =	sshll.u32 s26, $0x7;
	s14 =	sadd.s32 $0xFFFFFFFF, s26;
	s30 =	smul.u32 $0xA00, s26  }
0x6: {  	s1 =	sor.u32 s19, s6;
	s4 =	ssub.s32 $0x2, s19;
	s10 =	smul.u32 $0x50000, s10  }
0x7: {  	s14 =	sand.u32 $0x3, s14;
	s15 =	sadd.s32 $0x4, s6;
	p0 =	seq.s32 s19, $0x0  }
0x8: {  	p1 =	sne.s32 s19, $0x0;
	s8 =	smul.u32 $0x271, s1;
	s17 =	sshrl.u32 s4, $0x1  }
0x9: {  	s3 =	sshrl.u32 s3, $0x2;
	s24 =	sshrl.u32 s22, $0x2;
	s14 =	sshll.u32 s14, $0x7  }
0xa: {  	s15 =	sand.u32 $0x6, s15;
	s3 =	sand.u32 $0x1FFE0, s3;
	s1 =	ssub.s32 s4, s17  }
0xb: {  	s21 =	sshrl.u32 s10, $0x2;
	s25 =	sadd.s32 s24, s9;
	s7 =	sshll.u32 s8, $0x2  }
0xc: {  	[dreg:$0x9] =	wrdreg s1;
	s5 =	sadd.s32 s2, s3;
	s3 =	sand.u32 $0x380, s20  }
0xd: {  	s4 =	sadd.s32 s21, s9;
	s8 =	sshll.u32 s8, $0x1;
	[dreg:$0x5] =	wrdreg s25  }
0xe: {  	s20 =	sand.u32 $0x3, s26;
	s1 =	sshll.u32 s26, $0x5;
	s11 =	sand.u32 $0x1FFE0, s7  }
0xf: {  	s23 =	sadd.s32 s3, s4;
	s8 =	sand.u32 $0xFFF0, s8;
	s9 =	sshll.u32 s20, $0x8  }
0x10: {  	s10 =	sand.u32 $0x60, s1;
	s20 =	sshll.u32 s20, $0x7;
	s18 =	sadd.s32 s2, s11  }
0x11: {  	[dreg:$0x8] =	wrdreg s23;
	s0 =	sadd.s32 s16, s8;
	s2 =	sadd.s32 $0x6, s6  }
0x12: {  	s12 =	sadd.s32 $0x380, s9;
	s10 =	sxor.u32 $0x40, s10;
	s3 =	sadd.s32 $0x3FC, s9  }
0x13: {  	s16 =	sadd.s32 $0x280, s9;
	s4 =	sadd.s32 $0x200, s9;
	s17 =	sadd.s32 $0x9F80, s9  }
0x14: {  	s21 =	sadd.s32 $0x9E80, s9;
	s22 =	sadd.s32 $0x13F80, s9;
	s24 =	sadd.s32 $0x13F00, s9  }
0x15: {  	s25 =	sadd.s32 $0x1DF80, s9;
	s6 =	sadd.s32 $0x2, s6;
	s28 =	sadd.s32 $0x1DE00, s9  }
0x16: {  	s29 =	sadd.s32 $0x13D80, s9;
	s31 =	sadd.s32 $0x100, s9;
	[dreg:$0x7] =	wrdreg s18  }
0x17: {  	[dreg:$0x6] =	wrdreg s0;
	s11 =	sand.u32 $0x6, s2;
	s12 =	sand.u32 $0x400, s12  }
0x18: {  	s16 =	sand.u32 $0x400, s16;
	s18 =	sshll.u32 s15, $0x6;
	s15 =	sand.u32 $0x400, s4  }
0x19: {  	s10 =	sshll.u32 s10, $0x2;
	s17 =	sand.u32 $0xBC00, s17;
	s23 =	sand.u32 $0xBC00, s21  }
0x1a: {  	s22 =	sand.u32 $0x17C00, s22;
	s21 =	sand.u32 $0x17C00, s24;
	s24 =	sadd.s32 $0x1DF00, s9  }
0x1b: {  	s2 =	sadd.s32 $0x1DE80, s9;
	s6 =	sand.u32 $0x6, s6;
	s13 =	sshll.u32 s11, $0x6  }
0x1c: {  	s16 =	sor.u32 s18, s16;
	s11 =	sor.u32 s10, s15;
	s15 =	sadd.s32 $0x9F00, s9  }
0x1d: {  	s1 =	sor.u32 s14, s21;
	s0 =	sand.u32 $0x1FC00, s24;
	s24 =	sor.u32 s18, s23  }
0x1e: {  	s21 =	sand.u32 $0x1FC00, s28;
	s28 =	sadd.s32 $0x180, s9;
	s6 =	sshll.u32 s6, $0x6  }
0x1f: {  	s8 =	sor.u32 s13, s12;
	s12 =	sand.u32 $0x400, s3;
	s7 =	sor.u32 s13, s17  }
0x20: {  	s17 =	sand.u32 $0xBC00, s15;
	s15 =	sor.u32 s14, s0;
	s0 =	sand.u32 $0x400, s28  }
0x21: {  	s28 =	sadd.s32 $0x9D80, s9;
	s24 =	sor.u32 $0x240, s24;
	s12 =	sor.u32 s14, s12  }
0x22: {  	[dreg:$0xa] =	wrdreg s7;
	s17 =	sor.u32 s14, s17;
	s7 =	sadd.s32 $0x9E00, s9  }
0x23: {  	s14 =	sadd.s32 $0x13E00, s9;
	s19 =	sor.u32 $0x240, s8;
	s24 =	sshrl.u32 s24, $0x2  }
0x24: {  	[dreg:$0xc] =	wrdreg s17;
	s17 =	sor.u32 s13, s22;
	s22 =	sand.u32 $0x1FC00, s25  }
0x25: {  	s25 =	sadd.s32 $0x13E80, s9;
	s8 =	sor.u32 $0x200, s12;
	s13 =	sor.u32 s13, s22  }
0x26: {  	s3 =	sand.u32 $0x17C00, s25;
	s22 =	sand.u32 $0x1FC00, s2;
	s2 =	sand.u32 $0xBC00, s28  }
0x27: {  	s28 =	sand.u32 $0x17C00, s29;
	s8 =	sshrl.u32 s8, $0x2;
	s23 =	sor.u32 s18, s3  }
0x28: {  	s4 =	sor.u32 s18, s22;
	s22 =	sand.u32 $0xBC00, s7;
	s18 =	sand.u32 $0x17C00, s14  }
0x29: {  	s3 =	sor.u32 s6, s0;
	s29 =	sor.u32 s6, s2;
	s28 =	sor.u32 s6, s28  }
0x2a: {  	s7 =	sadd.s32 $0x1DD80, s9;
	s14 =	sadd.s32 $0x1, s26;
	[dreg:$0xb] =	wrdreg s4  }
0x2b: {  	s4 =	sor.u32 s10, s22;
	s25 =	sor.u32 s10, s18;
	s22 =	sor.u32 s10, s21  }
0x2c: {  	s10 =	sand.u32 $0x1FC00, s7;
	s21 =	sand.u32 $0x400, s31;
	s0 =	sand.u32 $0x3, s14  }
0x2d: {  	s31 =	sadd.s32 $0x9D00, s9;
	s7 =	sadd.s32 $0x13D00, s9;
	s9 =	sadd.s32 $0x1DD00, s9  }
0x2e: {  	s14 =	sshrl.u32 s30, $0x2;
	s30 =	sor.u32 $0x240, s16;
	s29 =	sor.u32 $0x240, s29  }
0x2f: {  	s16 =	sor.u32 $0x200, s1;
	s23 =	sor.u32 $0x240, s23;
	s28 =	sor.u32 $0x240, s28  }
0x30: {  	[dreg:$0xd] =	wrdreg s22;
	s18 =	sor.u32 s6, s10;
	s0 =	sshll.u32 s0, $0x7  }
0x31: {  	s6 =	simm.s32 $0x0;
	s22 =	sand.u32 $0xBC00, s31;
	s10 =	sand.u32 $0x17C00, s7  }
0x32: {  	s9 =	sand.u32 $0x1FC00, s9;
	s25 =	sor.u32 $0x200, s25;
	s30 =	sshrl.u32 s30, $0x2  }
0x33: {  	s29 =	sshrl.u32 s29, $0x2;
	s28 =	sshrl.u32 s28, $0x2;
	[dreg:$0xe] =	wrdreg s18  }
0x34: {  	s23 =	sshrl.u32 s23, $0x2;
	[smem:$0x7FF] =	sst s6;
	s2 =	sor.u32 s0, s21  }
0x35: {  	s31 =	sor.u32 s0, s22;
	s7 =	sor.u32 s0, s10;
	s0 =	sor.u32 s0, s9  }
0x36: {  	s10 =	rddreg [dreg:$0x3];
	s21 =	sshll.u32 s26, $0x6;
	s22 =	sshrl.u32 s20, $0x2  }
0x37: {  	s25 =	sshrl.u32 s25, $0x2;
	v18 =	vmov s23;
	s23 =	simm.s32 $0x4;
	[dreg:$0x11] =	wrdreg s0  }
0x38: {  	v16 =	vmov s28;
	s28 =	simm.s32 $0x1400;
	_ =	strace $0x80000047;
	[dreg:$0x13] =	wrdreg s19  }
0x39: {  	s9 =	sadd.s32 s14, s10;
	s14 =	sor.u32 $0x240, s3;
	[dreg:$0x17] =	wrdreg s16  }
0x3a: {  	s2 =	sor.u32 $0x200, s2;
	s12 =	sor.u32 $0x80, s22;
	s18 =	rddreg [dreg:$0x9]  }
0x3b: {  	s0 =	sor.u32 $0x240, s20;
	s19 =	sor.u32 $0x200, s11;
	s26 =	rddreg [dreg:$0xa]  }
0x3c: {  	s11 =	sor.u32 $0x2700, s21;
	s16 =	sor.u32 $0x14200, s20;
	s3 =	rddreg [dreg:$0xc]  }
0x3d: {  	s10 =	smax.u32 s18, $0x1;
	s22 =	sor.u32 $0x240, s26;
	s21 =	sor.u32 $0x200, s3  }
0x3e: {  	s26 =	sor.u32 $0x200, s4;
	s4 =	sor.u32 $0x240, s17;
	s3 =	sor.u32 $0xA240, s20  }
0x3f: {  	s18 =	sor.u32 $0x14240, s20;
	s17 =	sor.u32 $0x1E240, s20;
	[dreg:$0x14] =	wrdreg s4  }
0x40: {  	s4 =	sor.u32 $0xA200, s20;
	[dreg:$0xf] =	wrdreg s17;
	s17 =	sor.u32 $0x1E200, s20  }
0x41: {  	s20 =	sor.u32 $0x240, s13;
	s13 =	sor.u32 $0x200, s15;
	s15 =	rddreg [dreg:$0xb]  }
0x42: {  	s31 =	sor.u32 $0x200, s31;
	s7 =	sor.u32 $0x200, s7;
	[dreg:$0x10] =	wrdreg s17  }
0x43: {  	s0 =	sshrl.u32 s0, $0x2;
	s2 =	sshrl.u32 s2, $0x2;
	[dreg:$0x12] =	wrdreg s20  }
0x44: {  	s14 =	sshrl.u32 s14, $0x2;
	s31 =	sshrl.u32 s31, $0x2;
	[dreg:$0x15] =	wrdreg s13  }
0x45: {  	s7 =	sshrl.u32 s7, $0x2;
	s19 =	sshrl.u32 s19, $0x2;
	s17 =	rddreg [dreg:$0xd]  }
0x46: {  	v1 =	vmov s2;
	s2 =	sshrl.u32 s16, $0x2;
	v15 =	vmov s7;
	s7 =	simm.s32 $0x16900;
	s20 =	rddreg [dreg:$0xe]  }
0x47: {  	v21 =	vmov s2;
	s2 =	simm.s32 $0x13E80;
	s26 =	sshrl.u32 s26, $0x2;
	s13 =	rddreg [dreg:$0x11]  }
0x48: {  	v2 =	vmov s14;
	s21 =	sshrl.u32 s21, $0x2;
	s22 =	sshrl.u32 s22, $0x2;
	s14 =	rddreg [dreg:$0x14]  }
0x49: {  	s3 =	sshrl.u32 s3, $0x2;
	s1 =	sor.u32 $0x240, s15;
	v9 =	vmov s26;
	s26 =	rddreg [dreg:$0xf]  }
0x4a: {  	s16 =	sshrl.u32 s18, $0x2;
	s4 =	sshrl.u32 s4, $0x2;
	[dreg:$0x16] =	wrdreg s1  }
0x4b: {  	v12 =	vmov s22;
	s22 =	simm.s32 $0x3;
	s15 =	sor.u32 $0x240, s20;
	s20 =	rddreg [dreg:$0x13]  }
0x4c: {  	v3 =	vmov s19;
	v14 =	vmov s3;
	v22 =	vmov s16;
	s3 =	simm.s32 $0x5;
	s16 =	simm.s32 $0x0;
	s19 =	rddreg [dreg:$0x12]  }
0x4d: {  	v10 =	vmov s24;
	s17 =	sor.u32 $0x200, s17;
	s13 =	sor.u32 $0x200, s13;
	s24 =	rddreg [dreg:$0x10]  }
0x4e: {  	v0 =	vmov s0;
	s0 =	sshrl.u32 s14, $0x2;
	s1 =	sshrl.u32 s20, $0x2;
	s20 =	rddreg [dreg:$0x17]  }
0x4f: {  	s14 =	sadd.s32 $0xA00, s5;
	s18 =	sshrl.u32 s15, $0x2;
	s15 =	rddreg [dreg:$0x16]  }
0x50: {  	v5 =	vmov s8;
	v4 =	vmov s30;
	s8 =	sshrl.u32 s13, $0x2;
	s30 =	sshrl.u32 s17, $0x2;
	s17 =	rddreg [dreg:$0x15]  }
0x51: {  	v31 =	vimm.f32 $0.0e+00;
	v8 =	vmov s29;
	v11 =	vmov s21;
	s29 =	sshrl.u32 s19, $0x2;
	s21 =	sshrl.u32 s24, $0x2;
	s24 =	sshrl.u32 s26, $0x2  }
.Ltmp0:
0x52: {  	v32 =	vimm.f32 $1.000000000e+00;
	v17 =	vmov s25;
	v7 =	vmov s31;
	s13 =	sadd.s32 $0x500, s5;
	s19 =	simm.s32 $0xEC00;
	(pc) =	sbr.rel .LBB2_1-.Ltmp0, $4  }
0x53: {  	v13 =	vmov s4;
	v20 =	vmov s0;
	s26 =	simm.s32 $0x6;
	s0 =	simm.s32 $0x19100;
	s20 =	sshrl.u32 s20, $0x2;
	v23 =	vmov s8  }
0x54: {  	v6 =	vmov s1;
	s1 =	sshrl.u32 s15, $0x2;
	s31 =	sshrl.u32 s17, $0x2;
	v25 =	vmov s30;
	s30 =	rddreg [dreg:$0x8];
	v30 =	vmov s24  }
0x55: {  	s15 =	sadd.s32 $0xF00, s5;
	s17 =	simm.s32 $0x1;
	v24 =	vmov s18;
	v28 =	vmov s29;
	s29 =	rddreg [dreg:$0x7];
	v29 =	vmov s21  }
0x56: {  	v19 =	vmov s20;
	s20 =	simm.s32 $0x2;
	v26 =	vmov s1;
	s1 =	simm.s32 $0x14000;
	v27 =	vmov s31;
	s31 =	simm.s32 $0x16680  }
.LBB2_21:
0x57: {  	[tilespmem:s18+$0xFFFFFFE0] =	vst v38  }
0x58: {  	[tilespmem:s18+$0xFFFFFFF0] =	vst v36  }
0x59: {  	[tilespmem:s18+$0x0] =	vst v33  }
0x5a: {  	[tilespmem:s18+$0x10] =	vst v34  }
0x5b: {  	[tilespmem:s18+$0x20] =	vst v35  }
0x5c: {  	[tilespmem:s18+$0xFFFFFFC0] =	vst v37  }
.LBB2_22:
0x5d: {  	s16 =	sadd.s32 $0x1, s16  }
0x5e: {  	p2 =	sne.s32 s16, s10  }
.Ltmp1:
0x5f: {  	s4 =	rddreg [dreg:$0x6];
	(pc) =	sbr.rel @!p2 .LBB2_23-.Ltmp1, $4  }
0x60: {  	[hbm4b:s4+s6] =	stream.linear.scatter [tilespmem:s0], [sflag:$0x6], $0x2780, $0x38;
	[tilespmem:$0x1B880] =	vst v63  }
0x61: {  	_ =	swait.ge [sflag:s26], $0x2780  }
0x62: {  	[sflag:s26] =	ssyncset.done $0x0  }
0x63: {  	[sflag:s26] =	ssyncadd.s32 $0xFFFFD880  }
.LBB2_1:
0x64: {  	[tilespmem:s6], [sflag:$0x1] =	stream.linear.gather [hbm4b:s5+s6], $0x2800, $0x38;
	[tilespmem:$0x1B880] =	vst v63  }
0x65: {  	s4 =	simm.s32 $0x2800;
	s8 =	simm.s32 @!p0 $0x9D00  }
0x66: {  	[tilespmem:s4], [sflag:$0x2] =	stream.linear.gather [hbm4b:s13+s6], $0x2800, $0x38;
	[tilespmem:$0x1B880] =	vst v63  }
0x67: {  	s18 =	simm.s32 $0x0;
	s21 =	simm.s32 $0x200;
	s4 =	simm.s32 @!p0 $0x0  }
0x68: {  	[tilespmem:s8], [sflag:$0x5] =	stream.linear.gather @!p0 [hbm4b:s29+s4], $0x4F00, $0x38;
	[tilespmem:$0x1B880] =	vst v63  }
.LBB2_2:
0x69: {  	p2 =	sne.s32 s21, $0x9E00;
	[tilespmem:s18+$0xEC70] =	vst v31  }
0x6a: {  	[tilespmem:s18+$0xEC00] =	vst v31  }
0x6b: {  	[tilespmem:s18+$0xEC10] =	vst v31  }
.Ltmp2:
0x6c: {  	[tilespmem:s18+$0xEC20] =	vst v31;
	(pc) =	sbr.rel @p2 .LBB2_2-.Ltmp2, $4  }
0x6d: {  	[tilespmem:s18+$0xEC30] =	vst v31  }
0x6e: {  	[tilespmem:s18+$0xEC40] =	vst v31  }
0x6f: {  	[tilespmem:s18+$0xEC50] =	vst v31  }
0x70: {  	[tilespmem:s18+$0xEC60] =	vst v31;
	s18 =	sshra.s32 s21, $0x2;
	s21 =	sadd.s32 $0x200, s21  }
0x71: {  	[tilespmem:s18+$0xEC70] =	vst v31  }
0x72: {  	[tilespmem:s18+$0xEC00] =	vst v31  }
0x73: {  	[tilespmem:s18+$0xEC10] =	vst v31  }
0x74: {  	[tilespmem:s18+$0xEC20] =	vst v31  }
0x75: {  	[tilespmem:s18+$0xEC30] =	vst v31  }
0x76: {  	[tilespmem:s18+$0xEC40] =	vst v31  }
0x77: {  	[tilespmem:s18+$0xEC50] =	vst v31  }
0x78: {  	[tilespmem:s18+$0xEC60] =	vst v31  }
0x79: {  	_ =	swait.ge [sflag:s17], $0x2800  }
0x7a: {  	[sflag:s17] =	ssyncset.done $0x0  }
0x7b: {  	s18 =	simm.s32 $0x0;
	s4 =	simm.s32 $0x5000;
	[sflag:s17] =	ssyncadd.s32 $0xFFFFD800  }
0x7c: {  	[tilespmem:s4], [sflag:$0x3] =	stream.linear.gather [hbm4b:s14+s18], $0x2800, $0x38;
	[tilespmem:$0x1B880] =	vst v63  }
0x7d: {  	v34 =	vld.idx.msk [tilespmem:v0+s18+$0xFFFFFFF0 ss:$0x1], $0xffff  }
0x7e: {  	v35 =	vld.idx.msk [tilespmem:v6+s18+$0x0 ss:$0x1], $0xffff  }
0x7f: {  	v36 =	vld.idx.msk [tilespmem:v5+s18+$0x0 ss:$0x1], $0xffff  }
0x80: {  	v37 =	vld.idx.msk [tilespmem:v4+s18+$0x0 ss:$0x1], $0xffff  }
0x81: {  	v38 =	vld.idx.msk [tilespmem:v3+s18+$0x0 ss:$0x1], $0xffff  }
0x82: {  	v39 =	vld.idx.msk [tilespmem:v2+s18+$0x0 ss:$0x1], $0xffff  }
0x83: {  	v40 =	vld.idx.msk [tilespmem:v1+s18+$0x0 ss:$0x1], $0xffff  }
0x84: {  	v33 =	vld.idx.msk [tilespmem:v0+s18+$0x0 ss:$0x1], $0xffff  }
0x85: {  	[tilespmem:v34+s19+$0x0] =	vst.idx.add.f32.msk $0xffff, v32  }
0x86: {  	[tilespmem:v35+s19+$0x0] =	vst.idx.add.f32.msk $0xffff, v32  }
0x87: {  	[tilespmem:v36+s19+$0x0] =	vst.idx.add.f32.msk $0xffff, v32  }
0x88: {  	[tilespmem:v37+s19+$0x0] =	vst.idx.add.f32.msk $0xffff, v32  }
0x89: {  	[tilespmem:v38+s19+$0x0] =	vst.idx.add.f32.msk $0xffff, v32  }
0x8a: {  	[tilespmem:v39+s19+$0x0] =	vst.idx.add.f32.msk $0xffff, v32  }
0x8b: {  	s21 =	simm.s32 $0x0;
	s24 =	simm.s32 $0x0;
	[tilespmem:v40+s19+$0x0] =	vst.idx.add.f32.msk $0xffff, v32  }
.LBB2_4:
0x8c: {  	s21 =	sadd.s32 $0x8, s21;
	[tilespmem:v33+s19+$0x0] =	vst.idx.add.f32.msk $0xffff, v32;
	s24 =	sadd.s32 $0x100, s24  }
0x8d: {  	v34 =	vld.idx.msk [tilespmem:v0+s24+$0xFFFFFFF0 ss:$0x1], $0xffff;
	p2 =	slt.u32 s21, $0x130  }
0x8e: {  	v35 =	vld.idx.msk [tilespmem:v6+s24+$0x0 ss:$0x1], $0xffff  }
0x8f: {  	v36 =	vld.idx.msk [tilespmem:v5+s24+$0x0 ss:$0x1], $0xffff  }
0x90: {  	v37 =	vld.idx.msk [tilespmem:v4+s24+$0x0 ss:$0x1], $0xffff  }
0x91: {  	v38 =	vld.idx.msk [tilespmem:v3+s24+$0x0 ss:$0x1], $0xffff  }
0x92: {  	v39 =	vld.idx.msk [tilespmem:v2+s24+$0x0 ss:$0x1], $0xffff  }
0x93: {  	v40 =	vld.idx.msk [tilespmem:v1+s24+$0x0 ss:$0x1], $0xffff  }
0x94: {  	v33 =	vld.idx.msk [tilespmem:v0+s24+$0x0 ss:$0x1], $0xffff  }
0x95: {  	[tilespmem:v34+s19+$0x0] =	vst.idx.add.f32.msk $0xffff, v32  }
0x96: {  	[tilespmem:v35+s19+$0x0] =	vst.idx.add.f32.msk $0xffff, v32  }
.Ltmp3:
0x97: {  	[tilespmem:v36+s19+$0x0] =	vst.idx.add.f32.msk $0xffff, v32;
	(pc) =	sbr.rel @p2 .LBB2_4-.Ltmp3, $4  }
0x98: {  	[tilespmem:v37+s19+$0x0] =	vst.idx.add.f32.msk $0xffff, v32  }
0x99: {  	[tilespmem:v38+s19+$0x0] =	vst.idx.add.f32.msk $0xffff, v32  }
0x9a: {  	[tilespmem:v39+s19+$0x0] =	vst.idx.add.f32.msk $0xffff, v32  }
0x9b: {  	[tilespmem:v40+s19+$0x0] =	vst.idx.add.f32.msk $0xffff, v32  }
0x9c: {  	_ =	sdelay $0x3  }
0x9d: {  	[tilespmem:v33+s19+$0x0] =	vst.idx.add.f32.msk $0xffff, v32;
	s21 =	smov.u32 s11;
	s24 =	smov.u32 s12  }
.LBB2_6:
0x9e: {  	s4 =	sand.u32 $0x3FFFFF00, s21  }
0x9f: {  	s4 =	sadd.s32 s4, s24  }
0xa0: {  	v33 =	vld [tilespmem:s4+$0x0];
	_ =	sdelay $0x2  }
0xa1: {  	p2 =	sne.s32 s18, $0x20  }
.Ltmp4:
0xa2: {  	_ = 	snop;
	(pc) =	sbr.rel @p2 .LBB2_6-.Ltmp4, $2  }
0xa3: {  	_ =	sdelay $0x2  }
0xa4: {  	s21 =	sadd.s32 $0x20, s21;
	s18 =	sadd.s32 $0x20, s18;
	s24 =	sadd.s32 $0x10, s24;
	[tilespmem:v33+s19+$0x0] =	vst.idx.add.f32.msk $0xffff, v32  }
0xa5: {  	_ =	swait.ge [sflag:s20], $0x2800  }
0xa6: {  	[sflag:s20] =	ssyncset.done $0x0  }
0xa7: {  	s18 =	simm.s32 $0x0;
	s4 =	simm.s32 $0x7800;
	[sflag:s20] =	ssyncadd.s32 $0xFFFFD800  }
0xa8: {  	[tilespmem:s4], [sflag:$0x4] =	stream.linear.gather [hbm4b:s15+s18], $0x2500, $0x38;
	[tilespmem:$0x1B880] =	vst v63  }
0xa9: {  	v34 =	vld.idx.msk [tilespmem:v7+s18+$0x0 ss:$0x1], $0xffff  }
0xaa: {  	v35 =	vld.idx.msk [tilespmem:v14+s18+$0x0 ss:$0x1], $0xffff  }
0xab: {  	v36 =	vld.idx.msk [tilespmem:v13+s18+$0x0 ss:$0x1], $0xffff  }
0xac: {  	v37 =	vld.idx.msk [tilespmem:v12+s18+$0x0 ss:$0x1], $0xffff  }
0xad: {  	v38 =	vld.idx.msk [tilespmem:v11+s18+$0x0 ss:$0x1], $0xffff  }
0xae: {  	v39 =	vld.idx.msk [tilespmem:v10+s18+$0x0 ss:$0x1], $0xffff  }
0xaf: {  	v40 =	vld.idx.msk [tilespmem:v9+s18+$0x0 ss:$0x1], $0xffff  }
0xb0: {  	v33 =	vld.idx.msk [tilespmem:v8+s18+$0x0 ss:$0x1], $0xffff  }
0xb1: {  	[tilespmem:v34+s19+$0x0] =	vst.idx.add.f32.msk $0xffff, v32  }
0xb2: {  	[tilespmem:v35+s19+$0x0] =	vst.idx.add.f32.msk $0xffff, v32  }
0xb3: {  	[tilespmem:v36+s19+$0x0] =	vst.idx.add.f32.msk $0xffff, v32  }
0xb4: {  	[tilespmem:v37+s19+$0x0] =	vst.idx.add.f32.msk $0xffff, v32  }
0xb5: {  	[tilespmem:v38+s19+$0x0] =	vst.idx.add.f32.msk $0xffff, v32  }
0xb6: {  	[tilespmem:v39+s19+$0x0] =	vst.idx.add.f32.msk $0xffff, v32  }
0xb7: {  	s21 =	simm.s32 $0x13A;
	[tilespmem:v40+s19+$0x0] =	vst.idx.add.f32.msk $0xffff, v32  }
.LBB2_8:
0xb8: {  	s21 =	sadd.s32 $0x8, s21;
	[tilespmem:v33+s19+$0x0] =	vst.idx.add.f32.msk $0xffff, v32;
	s18 =	sadd.s32 $0x100, s18  }
0xb9: {  	v34 =	vld.idx.msk [tilespmem:v7+s18+$0x0 ss:$0x1], $0xffff;
	p2 =	slt.u32 s21, $0x272  }
0xba: {  	v35 =	vld.idx.msk [tilespmem:v14+s18+$0x0 ss:$0x1], $0xffff  }
0xbb: {  	v36 =	vld.idx.msk [tilespmem:v13+s18+$0x0 ss:$0x1], $0xffff  }
0xbc: {  	v37 =	vld.idx.msk [tilespmem:v12+s18+$0x0 ss:$0x1], $0xffff  }
0xbd: {  	v38 =	vld.idx.msk [tilespmem:v11+s18+$0x0 ss:$0x1], $0xffff  }
0xbe: {  	v39 =	vld.idx.msk [tilespmem:v10+s18+$0x0 ss:$0x1], $0xffff  }
0xbf: {  	v40 =	vld.idx.msk [tilespmem:v9+s18+$0x0 ss:$0x1], $0xffff  }
0xc0: {  	v33 =	vld.idx.msk [tilespmem:v8+s18+$0x0 ss:$0x1], $0xffff  }
0xc1: {  	[tilespmem:v34+s19+$0x0] =	vst.idx.add.f32.msk $0xffff, v32  }
0xc2: {  	[tilespmem:v35+s19+$0x0] =	vst.idx.add.f32.msk $0xffff, v32  }
.Ltmp5:
0xc3: {  	[tilespmem:v36+s19+$0x0] =	vst.idx.add.f32.msk $0xffff, v32;
	(pc) =	sbr.rel @p2 .LBB2_8-.Ltmp5, $4  }
0xc4: {  	[tilespmem:v37+s19+$0x0] =	vst.idx.add.f32.msk $0xffff, v32  }
0xc5: {  	[tilespmem:v38+s19+$0x0] =	vst.idx.add.f32.msk $0xffff, v32  }
0xc6: {  	[tilespmem:v39+s19+$0x0] =	vst.idx.add.f32.msk $0xffff, v32  }
0xc7: {  	[tilespmem:v40+s19+$0x0] =	vst.idx.add.f32.msk $0xffff, v32  }
0xc8: {  	_ =	sdelay $0x3  }
0xc9: {  	[tilespmem:v33+s19+$0x0] =	vst.idx.add.f32.msk $0xffff, v32  }
0xca: {  	_ =	swait.ge [sflag:s22], $0x2800  }
0xcb: {  	[sflag:s22] =	ssyncset.done $0x0  }
0xcc: {  	s18 =	simm.s32 $0x0;
	[sflag:s22] =	ssyncadd.s32 $0xFFFFD800  }
0xcd: {  	v34 =	vld.idx.msk [tilespmem:v15+s18+$0x0 ss:$0x1], $0xffff  }
0xce: {  	v35 =	vld.idx.msk [tilespmem:v22+s18+$0x0 ss:$0x1], $0xffff  }
0xcf: {  	v36 =	vld.idx.msk [tilespmem:v21+s18+$0x0 ss:$0x1], $0xffff  }
0xd0: {  	v37 =	vld.idx.msk [tilespmem:v20+s18+$0x0 ss:$0x1], $0xffff  }
0xd1: {  	v38 =	vld.idx.msk [tilespmem:v19+s18+$0x0 ss:$0x1], $0xffff  }
0xd2: {  	v39 =	vld.idx.msk [tilespmem:v18+s18+$0x0 ss:$0x1], $0xffff  }
0xd3: {  	v40 =	vld.idx.msk [tilespmem:v17+s18+$0x0 ss:$0x1], $0xffff  }
0xd4: {  	v33 =	vld.idx.msk [tilespmem:v16+s18+$0x0 ss:$0x1], $0xffff  }
0xd5: {  	[tilespmem:v34+s19+$0x0] =	vst.idx.add.f32.msk $0xffff, v32  }
0xd6: {  	[tilespmem:v35+s19+$0x0] =	vst.idx.add.f32.msk $0xffff, v32  }
0xd7: {  	[tilespmem:v36+s19+$0x0] =	vst.idx.add.f32.msk $0xffff, v32  }
0xd8: {  	[tilespmem:v37+s19+$0x0] =	vst.idx.add.f32.msk $0xffff, v32  }
0xd9: {  	[tilespmem:v38+s19+$0x0] =	vst.idx.add.f32.msk $0xffff, v32  }
0xda: {  	[tilespmem:v39+s19+$0x0] =	vst.idx.add.f32.msk $0xffff, v32  }
0xdb: {  	s21 =	simm.s32 $0x27A;
	[tilespmem:v40+s19+$0x0] =	vst.idx.add.f32.msk $0xffff, v32  }
.LBB2_10:
0xdc: {  	s21 =	sadd.s32 $0x8, s21;
	[tilespmem:v33+s19+$0x0] =	vst.idx.add.f32.msk $0xffff, v32;
	s18 =	sadd.s32 $0x100, s18  }
0xdd: {  	v34 =	vld.idx.msk [tilespmem:v15+s18+$0x0 ss:$0x1], $0xffff;
	p2 =	slt.u32 s21, $0x3B2  }
0xde: {  	v35 =	vld.idx.msk [tilespmem:v22+s18+$0x0 ss:$0x1], $0xffff  }
0xdf: {  	v36 =	vld.idx.msk [tilespmem:v21+s18+$0x0 ss:$0x1], $0xffff  }
0xe0: {  	v37 =	vld.idx.msk [tilespmem:v20+s18+$0x0 ss:$0x1], $0xffff  }
0xe1: {  	v38 =	vld.idx.msk [tilespmem:v19+s18+$0x0 ss:$0x1], $0xffff  }
0xe2: {  	v39 =	vld.idx.msk [tilespmem:v18+s18+$0x0 ss:$0x1], $0xffff  }
0xe3: {  	v40 =	vld.idx.msk [tilespmem:v17+s18+$0x0 ss:$0x1], $0xffff  }
0xe4: {  	v33 =	vld.idx.msk [tilespmem:v16+s18+$0x0 ss:$0x1], $0xffff  }
0xe5: {  	[tilespmem:v34+s19+$0x0] =	vst.idx.add.f32.msk $0xffff, v32  }
0xe6: {  	[tilespmem:v35+s19+$0x0] =	vst.idx.add.f32.msk $0xffff, v32  }
.Ltmp6:
0xe7: {  	[tilespmem:v36+s19+$0x0] =	vst.idx.add.f32.msk $0xffff, v32;
	(pc) =	sbr.rel @p2 .LBB2_10-.Ltmp6, $4  }
0xe8: {  	[tilespmem:v37+s19+$0x0] =	vst.idx.add.f32.msk $0xffff, v32  }
0xe9: {  	[tilespmem:v38+s19+$0x0] =	vst.idx.add.f32.msk $0xffff, v32  }
0xea: {  	[tilespmem:v39+s19+$0x0] =	vst.idx.add.f32.msk $0xffff, v32  }
0xeb: {  	[tilespmem:v40+s19+$0x0] =	vst.idx.add.f32.msk $0xffff, v32  }
0xec: {  	_ =	sdelay $0x3  }
0xed: {  	[tilespmem:v33+s19+$0x0] =	vst.idx.add.f32.msk $0xffff, v32  }
0xee: {  	_ =	swait.ge [sflag:s23], $0x2500  }
0xef: {  	[sflag:s23] =	ssyncset.done $0x0  }
0xf0: {  	s18 =	simm.s32 $0x0;
	[sflag:s23] =	ssyncadd.s32 $0xFFFFDB00  }
0xf1: {  	v34 =	vld.idx.msk [tilespmem:v23+s18+$0x0 ss:$0x1], $0xffff  }
0xf2: {  	v35 =	vld.idx.msk [tilespmem:v30+s18+$0x0 ss:$0x1], $0xffff  }
0xf3: {  	v36 =	vld.idx.msk [tilespmem:v29+s18+$0x0 ss:$0x1], $0xffff  }
0xf4: {  	v37 =	vld.idx.msk [tilespmem:v28+s18+$0x0 ss:$0x1], $0xffff  }
0xf5: {  	v38 =	vld.idx.msk [tilespmem:v27+s18+$0x0 ss:$0x1], $0xffff  }
0xf6: {  	v39 =	vld.idx.msk [tilespmem:v26+s18+$0x0 ss:$0x1], $0xffff  }
0xf7: {  	v40 =	vld.idx.msk [tilespmem:v25+s18+$0x0 ss:$0x1], $0xffff  }
0xf8: {  	v33 =	vld.idx.msk [tilespmem:v24+s18+$0x0 ss:$0x1], $0xffff  }
0xf9: {  	[tilespmem:v34+s19+$0x0] =	vst.idx.add.f32.msk $0xffff, v32  }
0xfa: {  	[tilespmem:v35+s19+$0x0] =	vst.idx.add.f32.msk $0xffff, v32  }
0xfb: {  	[tilespmem:v36+s19+$0x0] =	vst.idx.add.f32.msk $0xffff, v32  }
0xfc: {  	[tilespmem:v37+s19+$0x0] =	vst.idx.add.f32.msk $0xffff, v32  }
0xfd: {  	[tilespmem:v38+s19+$0x0] =	vst.idx.add.f32.msk $0xffff, v32  }
0xfe: {  	[tilespmem:v39+s19+$0x0] =	vst.idx.add.f32.msk $0xffff, v32  }
0xff: {  	s21 =	simm.s32 $0x3BA;
	[tilespmem:v40+s19+$0x0] =	vst.idx.add.f32.msk $0xffff, v32  }
.LBB2_12:
0x100: {  	s21 =	sadd.s32 $0x8, s21;
	[tilespmem:v33+s19+$0x0] =	vst.idx.add.f32.msk $0xffff, v32;
	s18 =	sadd.s32 $0x100, s18  }
0x101: {  	v34 =	vld.idx.msk [tilespmem:v23+s18+$0x0 ss:$0x1], $0xffff;
	p2 =	slt.u32 s21, $0x4DA  }
0x102: {  	v35 =	vld.idx.msk [tilespmem:v30+s18+$0x0 ss:$0x1], $0xffff  }
0x103: {  	v36 =	vld.idx.msk [tilespmem:v29+s18+$0x0 ss:$0x1], $0xffff  }
0x104: {  	v37 =	vld.idx.msk [tilespmem:v28+s18+$0x0 ss:$0x1], $0xffff  }
0x105: {  	v38 =	vld.idx.msk [tilespmem:v27+s18+$0x0 ss:$0x1], $0xffff  }
0x106: {  	v39 =	vld.idx.msk [tilespmem:v26+s18+$0x0 ss:$0x1], $0xffff  }
0x107: {  	v40 =	vld.idx.msk [tilespmem:v25+s18+$0x0 ss:$0x1], $0xffff  }
0x108: {  	v33 =	vld.idx.msk [tilespmem:v24+s18+$0x0 ss:$0x1], $0xffff  }
0x109: {  	[tilespmem:v34+s19+$0x0] =	vst.idx.add.f32.msk $0xffff, v32  }
0x10a: {  	[tilespmem:v35+s19+$0x0] =	vst.idx.add.f32.msk $0xffff, v32  }
.Ltmp7:
0x10b: {  	[tilespmem:v36+s19+$0x0] =	vst.idx.add.f32.msk $0xffff, v32;
	(pc) =	sbr.rel @p2 .LBB2_12-.Ltmp7, $4  }
0x10c: {  	[tilespmem:v37+s19+$0x0] =	vst.idx.add.f32.msk $0xffff, v32  }
0x10d: {  	[tilespmem:v38+s19+$0x0] =	vst.idx.add.f32.msk $0xffff, v32  }
0x10e: {  	[tilespmem:v39+s19+$0x0] =	vst.idx.add.f32.msk $0xffff, v32  }
0x10f: {  	[tilespmem:v40+s19+$0x0] =	vst.idx.add.f32.msk $0xffff, v32  }
0x110: {  	_ =	sdelay $0x3  }
0x111: {  	[tilespmem:v33+s19+$0x0] =	vst.idx.add.f32.msk $0xffff, v32;
	s4 =	simm.s32 $0x80;
	s8 =	simm.s32 $0x400  }
0x112: {  	[spmem:s30] =	stream.strided.scatter [tilespmem:s19], [sflag:$0x6], $0x2800, s8, s4, $0x38;
	[tilespmem:$0x1B880] =	vst v63  }
0x113: {  	_ =	swait.ge [sflag:s26], $0x2800  }
0x114: {  	[sflag:s26] =	ssyncset.done $0x0  }
0x115: {  	[sflag:s26] =	ssyncadd.s32 $0xFFFFD800  }
0x116: {  	[bflag:$0x0] =	sbarrier.arrive $0xFFFF  }
0x117: {  	s8 =	simm.s32 $0x0;
	s25 =	rddreg [dreg:$0x5]  }
0x118: {  	[tilespmem:s2], [sflag:$0x6] =	stream.strided.gather [spmem:s25], $0x2800, s1, s28, $0x38;
	[tilespmem:$0x1B880] =	vst v63  }
0x119: {  	s18 =	sand.u32 $0x70, s8;
	s4 =	sand.u32 $0x1C00, s8;
	_ =	swait.ge [sflag:s26], $0x2800  }
0x11a: {  	s4 =	sor.u32 s18, s4;
	[sflag:s26] =	ssyncset.done $0x0  }
0x11b: {  	s8 =	sadd.s32 $0x13E80, s4;
	[sflag:s26] =	ssyncadd.s32 $0xFFFFD800  }
0x11c: {  	v51 =	vld [tilespmem:s8+$0x80]  }
0x11d: {  	v34 =	vld [tilespmem:s4+$0x13E80];
	_ =	sdelay $0x1  }
0x11e: {  	v35 =	vld [tilespmem:s8+$0x100];
	_ =	sdelay $0x1  }
0x11f: {  	v36 =	vld [tilespmem:s8+$0x180]  }
0x120: {  	v33 =	vadd.f32 v51, v34  }
0x121: {  	v52 =	vld [tilespmem:s8+$0x200]  }
0x122: {  	v33 =	vadd.f32 v35, v33  }
0x123: {  	v53 =	vld [tilespmem:s8+$0x280]  }
0x124: {  	v33 =	vadd.f32 v36, v33  }
0x125: {  	v54 =	vld [tilespmem:s8+$0x300]  }
0x126: {  	v33 =	vadd.f32 v52, v33  }
0x127: {  	v55 =	vld [tilespmem:s8+$0x380]  }
0x128: {  	v33 =	vadd.f32 v53, v33  }
0x129: {  	v56 =	vld [tilespmem:s4+$0x15280]  }
0x12a: {  	v33 =	vadd.f32 v54, v33  }
0x12b: {  	v57 =	vld [tilespmem:s4+$0x15300]  }
0x12c: {  	v33 =	vadd.f32 v55, v33  }
0x12d: {  	v58 =	vld [tilespmem:s4+$0x15380]  }
0x12e: {  	v33 =	vadd.f32 v56, v33  }
0x12f: {  	v59 =	vld [tilespmem:s4+$0x15400]  }
0x130: {  	v33 =	vadd.f32 v57, v33  }
0x131: {  	v60 =	vld [tilespmem:s4+$0x15480]  }
0x132: {  	v33 =	vadd.f32 v58, v33  }
0x133: {  	v61 =	vld [tilespmem:s4+$0x15500]  }
0x134: {  	v33 =	vadd.f32 v59, v33  }
0x135: {  	v62 =	vld [tilespmem:s4+$0x15580]  }
0x136: {  	v33 =	vadd.f32 v60, v33  }
0x137: {  	v63 =	vld [tilespmem:s4+$0x15600]  }
0x138: {  	v33 =	vadd.f32 v61, v33;
	_ =	sdelay $0x1  }
0x139: {  	v33 =	vadd.f32 v62, v33;
	_ =	sdelay $0x1  }
0x13a: {  	v33 =	vadd.f32 v63, v33;
	_ =	sdelay $0x1  }
0x13b: {  	(erf) = vrcp.f32 v33;
	_ =	sdelay $0x6  }
0x13c: {  	s21 =	simm.s32 $0x10;
	s24 =	simm.s32 $0x80  }
0x13d: {  	s25 =	sand.u32 $0x1C00, s24;
	s4 =	sand.u32 $0x70, s21  }
0x13e: {  	s18 =	simm.s32 $0x16680;
	s21 =	sor.u32 s4, s25;
	s25 =	simm.s32 $0x20;
	v33 =	vpop (erf)  }
.LBB2_14:
0x13f: {  	p2 =	sne.s32 s25, $0x270;
	s4 =	sadd.s32 $0x13E80, s21;
	[tilespmem:s18+$0x0] =	vst v33  }
0x140: {  	v33 =	vld [tilespmem:s4+$0x80]  }
0x141: {  	v34 =	vld [tilespmem:s21+$0x13E80];
	_ =	sdelay $0x1  }
0x142: {  	v35 =	vld [tilespmem:s4+$0x100];
	_ =	sdelay $0x1  }
0x143: {  	v36 =	vld [tilespmem:s4+$0x180]  }
0x144: {  	v33 =	vadd.f32 v33, v34  }
0x145: {  	v34 =	vld [tilespmem:s4+$0x200]  }
0x146: {  	v33 =	vadd.f32 v35, v33  }
0x147: {  	v35 =	vld [tilespmem:s4+$0x280]  }
0x148: {  	v33 =	vadd.f32 v36, v33  }
0x149: {  	v36 =	vld [tilespmem:s4+$0x300]  }
0x14a: {  	v33 =	vadd.f32 v34, v33  }
0x14b: {  	v34 =	vld [tilespmem:s4+$0x380]  }
0x14c: {  	v33 =	vadd.f32 v35, v33  }
0x14d: {  	v35 =	vld [tilespmem:s21+$0x15280]  }
0x14e: {  	v33 =	vadd.f32 v36, v33  }
0x14f: {  	v36 =	vld [tilespmem:s21+$0x15300]  }
0x150: {  	v33 =	vadd.f32 v34, v33  }
0x151: {  	v34 =	vld [tilespmem:s21+$0x15380]  }
0x152: {  	v33 =	vadd.f32 v35, v33  }
0x153: {  	v35 =	vld [tilespmem:s21+$0x15400]  }
0x154: {  	v33 =	vadd.f32 v36, v33  }
0x155: {  	v36 =	vld [tilespmem:s21+$0x15480]  }
0x156: {  	v33 =	vadd.f32 v34, v33  }
0x157: {  	v34 =	vld [tilespmem:s21+$0x15500]  }
0x158: {  	v33 =	vadd.f32 v35, v33  }
0x159: {  	v35 =	vld [tilespmem:s21+$0x15580]  }
0x15a: {  	v33 =	vadd.f32 v36, v33  }
0x15b: {  	v36 =	vld [tilespmem:s21+$0x15600]  }
0x15c: {  	v33 =	vadd.f32 v34, v33;
	_ =	sdelay $0x1  }
0x15d: {  	v33 =	vadd.f32 v35, v33;
	_ =	sdelay $0x1  }
0x15e: {  	v33 =	vadd.f32 v36, v33;
	_ =	sdelay $0x1  }
0x15f: {  	(erf) = vrcp.f32 v33;
	_ =	sdelay $0x4  }
.Ltmp8:
0x160: {  	(pc) =	sbr.rel @p2 .LBB2_14-.Ltmp8, $4  }
0x161: {  	_ = 	snop  }
0x162: {  	s24 =	sadd.s32 $0x80, s24  }
0x163: {  	s8 =	sand.u32 $0x1C00, s24;
	s4 =	sand.u32 $0x70, s25  }
0x164: {  	s18 =	sadd.s32 $0x10, s18;
	s25 =	sadd.s32 $0x10, s25;
	s21 =	sor.u32 s4, s8;
	v33 =	vpop (erf)  }
0x165: {  	s4 =	sadd.s32 $0x13E80, s21;
	[tilespmem:s18+$0x0] =	vst v33  }
0x166: {  	v33 =	vld [tilespmem:s4+$0x80]  }
0x167: {  	v34 =	vld [tilespmem:s21+$0x13E80];
	_ =	sdelay $0x1  }
0x168: {  	v35 =	vld [tilespmem:s4+$0x100];
	_ =	sdelay $0x1  }
0x169: {  	v36 =	vld [tilespmem:s4+$0x180]  }
0x16a: {  	v33 =	vadd.f32 v33, v34  }
0x16b: {  	v52 =	vld [tilespmem:s4+$0x200]  }
0x16c: {  	v33 =	vadd.f32 v35, v33  }
0x16d: {  	v53 =	vld [tilespmem:s4+$0x280]  }
0x16e: {  	v33 =	vadd.f32 v36, v33  }
0x16f: {  	v54 =	vld [tilespmem:s4+$0x300]  }
0x170: {  	v33 =	vadd.f32 v52, v33  }
0x171: {  	v55 =	vld [tilespmem:s4+$0x380]  }
0x172: {  	v33 =	vadd.f32 v53, v33  }
0x173: {  	v56 =	vld [tilespmem:s21+$0x15280]  }
0x174: {  	v33 =	vadd.f32 v54, v33  }
0x175: {  	v57 =	vld [tilespmem:s21+$0x15300]  }
0x176: {  	v33 =	vadd.f32 v55, v33  }
0x177: {  	v58 =	vld [tilespmem:s21+$0x15380]  }
0x178: {  	v33 =	vadd.f32 v56, v33  }
0x179: {  	v59 =	vld [tilespmem:s21+$0x15400]  }
0x17a: {  	v33 =	vadd.f32 v57, v33  }
0x17b: {  	v60 =	vld [tilespmem:s21+$0x15480]  }
0x17c: {  	v33 =	vadd.f32 v58, v33  }
0x17d: {  	v61 =	vld [tilespmem:s21+$0x15500]  }
0x17e: {  	v33 =	vadd.f32 v59, v33  }
0x17f: {  	v62 =	vld [tilespmem:s21+$0x15580]  }
0x180: {  	v33 =	vadd.f32 v60, v33  }
0x181: {  	v63 =	vld [tilespmem:s21+$0x15600]  }
0x182: {  	v33 =	vadd.f32 v61, v33;
	_ =	sdelay $0x1  }
0x183: {  	v33 =	vadd.f32 v62, v33;
	_ =	sdelay $0x1  }
0x184: {  	v33 =	vadd.f32 v63, v33;
	_ =	sdelay $0x1  }
0x185: {  	(erf) = vrcp.f32 v33;
	_ =	sdelay $0x8  }
0x186: {  	s24 =	sadd.s32 $0x10, s18;
	v33 =	vpop (erf)  }
0x187: {  	[tilespmem:s24+$0x0] =	vst v33  }
0x188: {  	[spmem:s9] =	stream.linear.scatter [tilespmem:s31], [sflag:$0x6], $0x280, $0x38;
	[tilespmem:$0x1B880] =	vst v63  }
0x189: {  	_ =	swait.ge [sflag:s26], $0x280  }
0x18a: {  	[sflag:s26] =	ssyncset.done $0x0  }
0x18b: {  	[sflag:s26] =	ssyncadd.s32 $0xFFFFFD80  }
0x18c: {  	[bflag:$0x0] =	sbarrier.arrive $0xFFFF  }
.Ltmp9:
0x18d: {  	s25 =	rddreg [dreg:$0x3];
	(pc) =	sbr.rel @p1 .LBB2_19-.Ltmp9, $4  }
0x18e: {  	[tilespmem:s7], [sflag:$0x6] =	stream.linear.gather [spmem:s25], $0x2800, $0x38;
	[tilespmem:$0x1B880] =	vst v63  }
0x18f: {  	_ =	swait.ge [sflag:s26], $0x2800  }
0x190: {  	[sflag:s26] =	ssyncset.done $0x0  }
0x191: {  	[sflag:s26] =	ssyncadd.s32 $0xFFFFD800  }
0x192: {  	s4 =	simm.s32 $0xF0  }
0x193: {  	v33 =	vld [tilespmem:s4+$0x0]  }
0x194: {  	v34 =	vld [tilespmem:s4+$0xFFFFFFA0]  }
0x195: {  	v35 =	vld [tilespmem:s4+$0xFFFFFFB0]  }
0x196: {  	v36 =	vld [tilespmem:s4+$0xFFFFFFC0]  }
0x197: {  	v37 =	vld [tilespmem:s4+$0xFFFFFFD0]  }
0x198: {  	v39 =	vld [tilespmem:s4+$0xFFFFFFE0]  }
0x199: {  	v40 =	vld [tilespmem:s4+$0xFFFFFFF0]  }
0x19a: {  	v41 =	vld [tilespmem:s4+$0xFFFFFF90]  }
0x19b: {  	v42 =	vld.idx.msk [tilespmem:v33+s7+$0x0], $0xffff  }
0x19c: {  	v43 =	vld.idx.msk [tilespmem:v34+s7+$0x0], $0xffff  }
0x19d: {  	v38 =	vld.idx.msk [tilespmem:v35+s7+$0x0], $0xffff  }
0x19e: {  	v36 =	vld.idx.msk [tilespmem:v36+s7+$0x0], $0xffff  }
0x19f: {  	v33 =	vld.idx.msk [tilespmem:v37+s7+$0x0], $0xffff  }
0x1a0: {  	s18 =	simm.s32 $0x19140;
	v34 =	vld.idx.msk [tilespmem:v39+s7+$0x0], $0xffff  }
0x1a1: {  	v35 =	vld.idx.msk [tilespmem:v40+s7+$0x0], $0xffff;
	[tilespmem:s18+$0x30] =	vst v42  }
0x1a2: {  	s21 =	simm.s32 $0x0;
	s24 =	simm.s32 $0x1F0;
	v37 =	vld.idx.msk [tilespmem:v41+s7+$0x0], $0xffff;
	[tilespmem:s18+$0xFFFFFFD0] =	vst v43  }
.LBB2_17:
0x1a3: {  	v39 =	vld [tilespmem:s24+$0x0];
	s21 =	sadd.s32 $0x8, s21;
	[tilespmem:s18+$0xFFFFFFE0] =	vst v38  }
0x1a4: {  	v38 =	vld [tilespmem:s24+$0xFFFFFFA0];
	p2 =	slt.u32 s21, $0x270;
	[tilespmem:s18+$0xFFFFFFF0] =	vst v36  }
0x1a5: {  	v36 =	vld [tilespmem:s24+$0xFFFFFFB0];
	[tilespmem:s18+$0x0] =	vst v33  }
0x1a6: {  	v33 =	vld [tilespmem:s24+$0xFFFFFFC0];
	[tilespmem:s18+$0x10] =	vst v34  }
0x1a7: {  	v34 =	vld [tilespmem:s24+$0xFFFFFFD0];
	[tilespmem:s18+$0x20] =	vst v35  }
0x1a8: {  	v35 =	vld [tilespmem:s24+$0xFFFFFFE0];
	[tilespmem:s18+$0xFFFFFFC0] =	vst v37  }
0x1a9: {  	v37 =	vld [tilespmem:s24+$0xFFFFFFF0]  }
0x1aa: {  	v40 =	vld [tilespmem:s24+$0xFFFFFF90]  }
0x1ab: {  	v39 =	vld.idx.msk [tilespmem:v39+s7+$0x0], $0xffff  }
0x1ac: {  	v41 =	vld.idx.msk [tilespmem:v38+s7+$0x0], $0xffff  }
0x1ad: {  	v38 =	vld.idx.msk [tilespmem:v36+s7+$0x0], $0xffff  }
.Ltmp10:
0x1ae: {  	v36 =	vld.idx.msk [tilespmem:v33+s7+$0x0], $0xffff;
	(pc) =	sbr.rel @p2 .LBB2_17-.Ltmp10, $4  }
0x1af: {  	v33 =	vld.idx.msk [tilespmem:v34+s7+$0x0], $0xffff  }
0x1b0: {  	s18 =	sadd.s32 $0x80, s18;
	v34 =	vld.idx.msk [tilespmem:v35+s7+$0x0], $0xffff  }
0x1b1: {  	v35 =	vld.idx.msk [tilespmem:v37+s7+$0x0], $0xffff;
	[tilespmem:s18+$0x30] =	vst v39  }
0x1b2: {  	s24 =	sadd.s32 $0x100, s24;
	v37 =	vld.idx.msk [tilespmem:v40+s7+$0x0], $0xffff;
	[tilespmem:s18+$0xFFFFFFD0] =	vst v41  }
0x1b3: {  	[tilespmem:s18+$0xFFFFFFE0] =	vst v38  }
.Ltmp11:
0x1b4: {  	[tilespmem:s18+$0xFFFFFFF0] =	vst v36;
	(pc) =	sbr.rel .LBB2_22-.Ltmp11, $4  }
0x1b5: {  	[tilespmem:s18+$0x0] =	vst v33  }
0x1b6: {  	[tilespmem:s18+$0x10] =	vst v34  }
0x1b7: {  	[tilespmem:s18+$0x20] =	vst v35  }
0x1b8: {  	[tilespmem:s18+$0xFFFFFFC0] =	vst v37  }
.LBB2_19:
0x1b9: {  	_ =	swait.ge [sflag:s3], $0x4F00  }
0x1ba: {  	[sflag:s3] =	ssyncset.done $0x0  }
0x1bb: {  	s4 =	simm.s32 $0x9DF0;
	[sflag:s3] =	ssyncadd.s32 $0xFFFFB100  }
0x1bc: {  	v33 =	vld [tilespmem:s4+$0x0]  }
0x1bd: {  	v34 =	vld [tilespmem:s4+$0xFFFFFFA0]  }
0x1be: {  	v35 =	vld [tilespmem:s4+$0xFFFFFFB0]  }
0x1bf: {  	v36 =	vld [tilespmem:s4+$0xFFFFFFC0]  }
0x1c0: {  	v37 =	vld [tilespmem:s4+$0xFFFFFFD0]  }
0x1c1: {  	v39 =	vld [tilespmem:s4+$0xFFFFFFE0]  }
0x1c2: {  	v40 =	vld [tilespmem:s4+$0xFFFFFFF0]  }
0x1c3: {  	v41 =	vld [tilespmem:s4+$0xFFFFFF90]  }
0x1c4: {  	v42 =	vld.idx.msk [tilespmem:v33+s7+$0x0], $0xffff  }
0x1c5: {  	v43 =	vld.idx.msk [tilespmem:v34+s7+$0x0], $0xffff  }
0x1c6: {  	v38 =	vld.idx.msk [tilespmem:v35+s7+$0x0], $0xffff  }
0x1c7: {  	v36 =	vld.idx.msk [tilespmem:v36+s7+$0x0], $0xffff  }
0x1c8: {  	v33 =	vld.idx.msk [tilespmem:v37+s7+$0x0], $0xffff  }
0x1c9: {  	s18 =	simm.s32 $0x19140;
	v34 =	vld.idx.msk [tilespmem:v39+s7+$0x0], $0xffff  }
0x1ca: {  	v35 =	vld.idx.msk [tilespmem:v40+s7+$0x0], $0xffff;
	[tilespmem:s18+$0x30] =	vst v42  }
0x1cb: {  	s21 =	simm.s32 $0x0;
	s24 =	simm.s32 $0x9EF0;
	v37 =	vld.idx.msk [tilespmem:v41+s7+$0x0], $0xffff;
	[tilespmem:s18+$0xFFFFFFD0] =	vst v43  }
.LBB2_20:
0x1cc: {  	v39 =	vld [tilespmem:s24+$0x0];
	s21 =	sadd.s32 $0x8, s21;
	[tilespmem:s18+$0xFFFFFFE0] =	vst v38  }
0x1cd: {  	v38 =	vld [tilespmem:s24+$0xFFFFFFA0];
	p2 =	slt.u32 s21, $0x270;
	[tilespmem:s18+$0xFFFFFFF0] =	vst v36  }
0x1ce: {  	v36 =	vld [tilespmem:s24+$0xFFFFFFB0];
	[tilespmem:s18+$0x0] =	vst v33  }
0x1cf: {  	v33 =	vld [tilespmem:s24+$0xFFFFFFC0];
	[tilespmem:s18+$0x10] =	vst v34  }
0x1d0: {  	v34 =	vld [tilespmem:s24+$0xFFFFFFD0];
	[tilespmem:s18+$0x20] =	vst v35  }
0x1d1: {  	v35 =	vld [tilespmem:s24+$0xFFFFFFE0];
	[tilespmem:s18+$0xFFFFFFC0] =	vst v37  }
0x1d2: {  	v37 =	vld [tilespmem:s24+$0xFFFFFFF0]  }
0x1d3: {  	v40 =	vld [tilespmem:s24+$0xFFFFFF90]  }
0x1d4: {  	v39 =	vld.idx.msk [tilespmem:v39+s7+$0x0], $0xffff  }
0x1d5: {  	v41 =	vld.idx.msk [tilespmem:v38+s7+$0x0], $0xffff  }
0x1d6: {  	v38 =	vld.idx.msk [tilespmem:v36+s7+$0x0], $0xffff  }
.Ltmp12:
0x1d7: {  	v36 =	vld.idx.msk [tilespmem:v33+s7+$0x0], $0xffff;
	(pc) =	sbr.rel @p2 .LBB2_20-.Ltmp12, $4  }
0x1d8: {  	v33 =	vld.idx.msk [tilespmem:v34+s7+$0x0], $0xffff  }
0x1d9: {  	s18 =	sadd.s32 $0x80, s18;
	v34 =	vld.idx.msk [tilespmem:v35+s7+$0x0], $0xffff  }
0x1da: {  	v35 =	vld.idx.msk [tilespmem:v37+s7+$0x0], $0xffff;
	[tilespmem:s18+$0x30] =	vst v39  }
0x1db: {  	s24 =	sadd.s32 $0x100, s24;
	v37 =	vld.idx.msk [tilespmem:v40+s7+$0x0], $0xffff;
	[tilespmem:s18+$0xFFFFFFD0] =	vst v41  }
.Ltmp13:
0x1dc: {  	_ = 	snop;
	(pc) =	sbr.rel .LBB2_21-.Ltmp13, $1  }
0x1dd: {  	_ =	sdelay $0x3  }
.LBB2_23:
0x1de: {  	_ =	sfence.sel $0x180000  }
0x1df: {  	[bflag:$0x0] =	sbarrier.arrive $0xFFFF  }
0x1e0: {  	_ =	strace $0x90000047  }
0x1e1: {  	s0 =	stileid.u32;
	[bflag:$0x2] =	sbarrier.arrive $0xFFFF  }
0x1e2: {  	p0 =	sne.s32 s0, $0x0;
	s0 =	rddreg [dreg:$0x4]  }
0x1e3: {  	s0 =	sadd.s32 @!p0 $0x100000, s0  }
0x1e4: {  	[sflag:s0] =	ssyncadd.tile.s32 @!p0 $0x1;
	_ =	shalt  }
.Lfunc_end2:
_tile_overlayer_lowered:
.L_overlay_start_2:
0x1e5: {  	(tag) =	ssettag $0x2  }
0x1e6: {  	s0 =	rddreg [dreg:$0x0];
	s2 =	stileid.u32  }
0x1e7: {  	s1 =	rddreg [dreg:$0x1];
	p0 =	sne.s32 s2, $0x0  }
0x1e8: {  	s3 =	rddreg [dreg:$0x2];
	[bflag:$0x3] =	sbarrier.arrive $0xFFFF;
	s2 =	simm.s32 @!p0 $0x1C06  }
0x1e9: {  	[timem:s3], [sflag:s2] =	dma.local @!p0 [hbm:s0], s1  }
0x1ea: {  	s0 =	simm.s32 @!p0 $0x6  }
0x1eb: {  	_ =	swait.ge @!p0 [sflag:s0], s1  }
0x1ec: {  	s1 =	ssub.s32 @!p0 $0x0, s1;
	[sflag:s0] =	ssyncset.done @!p0 $0x0  }
0x1ed: {  	[sflag:s0] =	ssyncadd.s32 @!p0 s1  }
0x1ee: {  	[bflag:$0x3] =	sbarrier.arrive $0xFFFF  }
0x1ef: {  	_ =	shalt  }

</sc_bundles>
